<compile_context>
chip_gen: v7x
topology: tpu7x:2x2x1
jax: 0.10.2.dev20260603
libtpu: 0.0.44.dev20260713+nightly
codegen_flags: <defaults>
</compile_context>

<pallas_src>
import functools

import jax
import jax.numpy as jnp
from jax import lax
from jax.experimental import pallas as pl
from jax.experimental.pallas import tpu as pltpu, tpu_sc as plsc

_BB = 8
_NCHUNK = 16



def _tc_body(feat_ref, logits_ref, img_ref, conf_ref):
    N = logits_ref.shape[1]
    ii = jax.lax.broadcasted_iota(jnp.int32, (N, N), 0)
    pp = jax.lax.broadcasted_iota(jnp.int32, (N, N), 1)

    for b in range(_BB):
        L = logits_ref[b]
        F = feat_ref[b]

        m = jnp.max(L, axis=0)
        s = jnp.sum(jnp.exp(L - m[None, :]), axis=0)
        conf_ref[b, 0, :] = 1.0 / s
        preds = jnp.min(jnp.where(L == m[None, :], ii, N), axis=0)

        F1 = ii == preds[None, :]
        lastn = jnp.max(jnp.where(F1, pp, -1), axis=1)
        M = (lastn[:, None] == pp).astype(jnp.float32)

        interior = (M[:-2] + M[1:-1] + M[2:]) * (1.0 / 3.0)
        M2 = jnp.concatenate([M[0:1], interior, M[N - 1:N]], axis=0)

        img_ref[b] = jax.lax.dot_general(
            F.astype(jnp.bfloat16), M2.astype(jnp.bfloat16),
            dimension_numbers=(((0,), (1,)), ((), ())),
            preferred_element_type=jnp.float32,
        )


def _tc_img(features, position_logits):
    B, N, D = features.shape
    return pl.pallas_call(
        _tc_body,
        grid=(B // _BB,),
        in_specs=[
            pl.BlockSpec((_BB, N, D), lambda b: (b, 0, 0)),
            pl.BlockSpec((_BB, N, N), lambda b: (b, 0, 0)),
        ],
        out_specs=[
            pl.BlockSpec((_BB, D, N), lambda b: (b, 0, 0)),
            pl.BlockSpec((_BB, 1, N), lambda b: (b, 0, 0)),
        ],
        out_shape=[
            jax.ShapeDtypeStruct((B, D, N), jnp.float32),
            jax.ShapeDtypeStruct((B, 1, N), jnp.float32),
        ],
    )(features, position_logits)



def _sc_conf(position_logits, nb):
    B, N, _ = position_logits.shape
    info = plsc.get_sparse_core_info()
    NC, NS, L = info.num_cores, info.num_subcores, info.num_lanes
    NW = NC * NS
    per_w = nb // NW
    mesh = plsc.VectorSubcoreMesh(core_axis_name="c", subcore_axis_name="s")

    @functools.partial(
        pl.kernel,
        out_type=jax.ShapeDtypeStruct((nb, N), jnp.float32),
        mesh=mesh,
        scratch_types=[
            pltpu.VMEM((N, N), jnp.float32),
            pltpu.VMEM((N,), jnp.float32),
        ],
    )
    def conf_kernel(logits_hbm, conf_hbm, l_v, c_v):
        wid = lax.axis_index("s") * NC + lax.axis_index("c")
        for j in range(per_w):
            b = wid * per_w + j
            pltpu.sync_copy(logits_hbm.at[b], l_v)

            def max_body(i, ms):
                return tuple(
                    jnp.maximum(ms[c], l_v[i, pl.ds(c * L, L)])
                    for c in range(_NCHUNK)
                )
            init = tuple(jnp.full((L,), -jnp.inf, jnp.float32)
                         for _ in range(_NCHUNK))
            ms = lax.fori_loop(0, N, max_body, init)

            def sum_body(i, ss):
                return tuple(
                    ss[c] + jnp.exp(l_v[i, pl.ds(c * L, L)] - ms[c])
                    for c in range(_NCHUNK)
                )
            zinit = tuple(jnp.zeros((L,), jnp.float32) for _ in range(_NCHUNK))
            ss = lax.fori_loop(0, N, sum_body, zinit)

            for c in range(_NCHUNK):
                c_v[pl.ds(c * L, L)] = 1.0 / ss[c]
            pltpu.sync_copy(c_v, conf_hbm.at[b])

    return conf_kernel(position_logits)


@jax.jit
def kernel(features, position_logits):
    B, N, D = features.shape
    nb = B // 2
    img, conf_tc = _tc_img(features, position_logits)
    conf_sc = _sc_conf(position_logits, nb)
    conf = jnp.concatenate([conf_sc, conf_tc.reshape(B, N)[nb:]], axis=0)
    g = int(round(N ** 0.5))
    return img.reshape(B, D, g, g), conf

# --- scband reference (transcript-rebuilt; emitter-appended) ---
"""Pipeline reference for scband-reconstruction-module-67508295958904 (READ-ONLY COPY).

The authoritative reference and input builder live on the scoring server;
editing this copy changes nothing except your own understanding.
"""

import jax, jax.numpy as jnp
import numpy as np


def setup_inputs(seed: int = 0) -> dict:
    key = jax.random.key(seed)
    k1, k2 = jax.random.split(key)
    features = jax.random.normal(k1, (128, 256, 768), dtype=jnp.float32)
    position_logits = jax.random.normal(k2, (128, 256, 256), dtype=jnp.float32)
    return {"features": features, "position_logits": position_logits}


def reference(features, position_logits):
    # _get_position_predictions: argmax / max-softmax over dim=1
    position_preds = jnp.argmax(position_logits, axis=1)  # [B, N]
    confidence = jnp.max(jax.nn.softmax(position_logits, axis=1), axis=1)  # [B, N]

    # _rearrange_patches: scatter along patch dim
    B, N, D = features.shape
    preds = jnp.clip(position_preds.astype(jnp.int32), 0, N - 1)  # [B, N]
    batch_idx = jnp.arange(B)[:, None]  # [B, 1]
    rearranged = jnp.zeros_like(features).at[batch_idx, preds].set(features)

    # _smooth_edges: interior positions averaged from ORIGINAL (pre-smooth) patches
    interior = (rearranged[:, :-2] + rearranged[:, 1:-1] + rearranged[:, 2:]) / 3.0
    smoothed = rearranged.at[:, 1:-1].set(interior)

    # _reconstruct_image: N=256, N-1=255 not a perfect square -> no cls-token removal
    g = int(round(N ** 0.5))
    assert g * g == N
    img = smoothed.reshape(B, g, g, D)
    img = jnp.transpose(img, (0, 3, 1, 2))  # [B, D, g, g]
    return img, confidence

if __name__ == "__main__":
    import jax
    _d = setup_inputs()
    print(jax.jit(kernel)(*tuple(_d.values())))

</pallas_src>

<mosaic_0001>
#map = affine_map<(d0, d1) -> (0, 0, 0)>
#map1 = affine_map<(d0, d1) -> (0, 0)>
module attributes {stable_mosaic.version = 14 : i64} {
  func.func @conf_kernel(%arg0: i32, %arg1: i32, %arg2: memref<128x256x256xf32, #tpu.memory_space<hbm>>, %arg3: memref<64x256xf32, #tpu.memory_space<hbm>>, %arg4: memref<256x256xf32, #tpu.memory_space<vmem>>, %arg5: memref<256xf32, #tpu.memory_space<vmem>>) attributes {dimension_semantics = [#tpu.dimension_semantics<core_parallel>, #tpu.dimension_semantics<subcore_parallel>], iteration_bounds = array<i64: 2, 16>, scalar_prefetch = 0 : i64, scratch_operands = 2 : i64, tpu.core_type = #tpu.core_type<sc_vector_subcore>, window_params = [{transform_indices = #map}, {transform_indices = #map1}]} {
    %mul3A = arith.constant 2 : i32
    %mul3A_0 = arith.muli %arg1, %mul3A : i32
    %add3A = arith.addi %mul3A_0, %arg0 : i32
    %mul3A_1 = arith.constant 2 : i32
    %mul3A_2 = arith.muli %add3A, %mul3A_1 : i32
    %add3A_3 = arith.constant 0 : i32
    %add3A_4 = arith.addi %mul3A_2, %add3A_3 : i32
    "tpu.region"() ({
      %run_scoped3A = tpu.sem_alloc : memref<!tpu.dma_semaphore, #tpu.memory_space<semaphore_mem>>
      %dma_start3A = arith.constant 0 : i32
      %dma_start3A_381 = arith.constant 0 : i32
      %dma_start3A_382 = tpu.memref_slice %arg2[%add3A_4, %dma_start3A, %dma_start3A_381] : memref<128x256x256xf32, #tpu.memory_space<hbm>> -> memref<1x256x256xf32, #tpu.memory_space<hbm>>
      %dma_start3A_383 = tpu.memref_squeeze %dma_start3A_382 : memref<1x256x256xf32, #tpu.memory_space<hbm>> -> memref<256x256xf32, #tpu.memory_space<hbm>>
      %dma_start3A_384 = arith.constant 0 : i32
      %dma_start3A_385 = arith.constant 0 : i32
      %dma_start3A_386 = tpu.memref_slice %arg2[%add3A_4, %dma_start3A_384, %dma_start3A_385] : memref<128x256x256xf32, #tpu.memory_space<hbm>> -> memref<1x256x256xf32, #tpu.memory_space<hbm>>
      %dma_start3A_387 = tpu.memref_squeeze %dma_start3A_386 : memref<1x256x256xf32, #tpu.memory_space<hbm>> -> memref<256x256xf32, #tpu.memory_space<hbm>>
      tpu.enqueue_dma source(%dma_start3A_387 : memref<256x256xf32, #tpu.memory_space<hbm>>) target(%arg4 : memref<256x256xf32, #tpu.memory_space<vmem>>) target_semaphore(%run_scoped3A : memref<!tpu.dma_semaphore, #tpu.memory_space<semaphore_mem>>)
      %dma_wait3A = arith.constant 0 : i32
      %dma_wait3A_388 = arith.constant 0 : i32
      %dma_wait3A_389 = tpu.memref_slice %arg2[%add3A_4, %dma_wait3A, %dma_wait3A_388] : memref<128x256x256xf32, #tpu.memory_space<hbm>> -> memref<1x256x256xf32, #tpu.memory_space<hbm>>
      %dma_wait3A_390 = tpu.memref_squeeze %dma_wait3A_389 : memref<1x256x256xf32, #tpu.memory_space<hbm>> -> memref<256x256xf32, #tpu.memory_space<hbm>>
      %dma_wait3A_391 = arith.constant 0 : i32
      %dma_wait3A_392 = arith.constant 0 : i32
      %dma_wait3A_393 = tpu.memref_slice %arg2[%add3A_4, %dma_wait3A_391, %dma_wait3A_392] : memref<128x256x256xf32, #tpu.memory_space<hbm>> -> memref<1x256x256xf32, #tpu.memory_space<hbm>>
      %dma_wait3A_394 = tpu.memref_squeeze %dma_wait3A_393 : memref<1x256x256xf32, #tpu.memory_space<hbm>> -> memref<256x256xf32, #tpu.memory_space<hbm>>
      tpu.wait_dma2 semaphore(%run_scoped3A : memref<!tpu.dma_semaphore, #tpu.memory_space<semaphore_mem>>) src(%dma_wait3A_394 : memref<256x256xf32, #tpu.memory_space<hbm>>) dst(%arg4 : memref<256x256xf32, #tpu.memory_space<vmem>>)
      tpu.yield
    }) : () -> ()
    %broadcast_in_dim3A = arith.constant 0xFF800000 : f32
    %broadcast_in_dim3A_5 = vector.broadcast %broadcast_in_dim3A : f32 to vector<16xf32>
    %broadcast_in_dim3A_6 = arith.constant 0xFF800000 : f32
    %broadcast_in_dim3A_7 = vector.broadcast %broadcast_in_dim3A_6 : f32 to vector<16xf32>
    %broadcast_in_dim3A_8 = arith.constant 0xFF800000 : f32
    %broadcast_in_dim3A_9 = vector.broadcast %broadcast_in_dim3A_8 : f32 to vector<16xf32>
    %broadcast_in_dim3A_10 = arith.constant 0xFF800000 : f32
    %broadcast_in_dim3A_11 = vector.broadcast %broadcast_in_dim3A_10 : f32 to vector<16xf32>
    %broadcast_in_dim3A_12 = arith.constant 0xFF800000 : f32
    %broadcast_in_dim3A_13 = vector.broadcast %broadcast_in_dim3A_12 : f32 to vector<16xf32>
    %broadcast_in_dim3A_14 = arith.constant 0xFF800000 : f32
    %broadcast_in_dim3A_15 = vector.broadcast %broadcast_in_dim3A_14 : f32 to vector<16xf32>
    %broadcast_in_dim3A_16 = arith.constant 0xFF800000 : f32
    %broadcast_in_dim3A_17 = vector.broadcast %broadcast_in_dim3A_16 : f32 to vector<16xf32>
    %broadcast_in_dim3A_18 = arith.constant 0xFF800000 : f32
    %broadcast_in_dim3A_19 = vector.broadcast %broadcast_in_dim3A_18 : f32 to vector<16xf32>
    %broadcast_in_dim3A_20 = arith.constant 0xFF800000 : f32
    %broadcast_in_dim3A_21 = vector.broadcast %broadcast_in_dim3A_20 : f32 to vector<16xf32>
    %broadcast_in_dim3A_22 = arith.constant 0xFF800000 : f32
    %broadcast_in_dim3A_23 = vector.broadcast %broadcast_in_dim3A_22 : f32 to vector<16xf32>
    %broadcast_in_dim3A_24 = arith.constant 0xFF800000 : f32
    %broadcast_in_dim3A_25 = vector.broadcast %broadcast_in_dim3A_24 : f32 to vector<16xf32>
    %broadcast_in_dim3A_26 = arith.constant 0xFF800000 : f32
    %broadcast_in_dim3A_27 = vector.broadcast %broadcast_in_dim3A_26 : f32 to vector<16xf32>
    %broadcast_in_dim3A_28 = arith.constant 0xFF800000 : f32
    %broadcast_in_dim3A_29 = vector.broadcast %broadcast_in_dim3A_28 : f32 to vector<16xf32>
    %broadcast_in_dim3A_30 = arith.constant 0xFF800000 : f32
    %broadcast_in_dim3A_31 = vector.broadcast %broadcast_in_dim3A_30 : f32 to vector<16xf32>
    %broadcast_in_dim3A_32 = arith.constant 0xFF800000 : f32
    %broadcast_in_dim3A_33 = vector.broadcast %broadcast_in_dim3A_32 : f32 to vector<16xf32>
    %broadcast_in_dim3A_34 = arith.constant 0xFF800000 : f32
    %broadcast_in_dim3A_35 = vector.broadcast %broadcast_in_dim3A_34 : f32 to vector<16xf32>
    %scan3A = arith.constant 0 : i32
    %scan3A_36 = arith.constant 256 : i32
    %scan3A_37 = arith.addi %scan3A, %scan3A_36 : i32
    %scan3A_38 = arith.constant 1 : i32
    %scan3A_39:16 = scf.for %scan3A_381 = %scan3A to %scan3A_37 step %scan3A_38 iter_args(%scan3A_382 = %broadcast_in_dim3A_5, %scan3A_383 = %broadcast_in_dim3A_7, %scan3A_384 = %broadcast_in_dim3A_9, %scan3A_385 = %broadcast_in_dim3A_11, %scan3A_386 = %broadcast_in_dim3A_13, %scan3A_387 = %broadcast_in_dim3A_15, %scan3A_388 = %broadcast_in_dim3A_17, %scan3A_389 = %broadcast_in_dim3A_19, %scan3A_390 = %broadcast_in_dim3A_21, %scan3A_391 = %broadcast_in_dim3A_23, %scan3A_392 = %broadcast_in_dim3A_25, %scan3A_393 = %broadcast_in_dim3A_27, %scan3A_394 = %broadcast_in_dim3A_29, %scan3A_395 = %broadcast_in_dim3A_31, %scan3A_396 = %broadcast_in_dim3A_33, %scan3A_397 = %broadcast_in_dim3A_35) -> (vector<16xf32>, vector<16xf32>, vector<16xf32>, vector<16xf32>, vector<16xf32>, vector<16xf32>, vector<16xf32>, vector<16xf32>, vector<16xf32>, vector<16xf32>, vector<16xf32>, vector<16xf32>, vector<16xf32>, vector<16xf32>, vector<16xf32>, vector<16xf32>)  : i32 {
      %get3A = arith.index_cast %scan3A_381 : i32 to index
      %get3A_398 = arith.constant 0 : index
      %get3A_399 = tpu.vector_load %arg4[%get3A, %get3A_398] {strides = array<i32>} : memref<256x256xf32, #tpu.memory_space<vmem>>, vector<1x16xf32>,
      %get3A_400 = vector.shape_cast %get3A_399 : vector<1x16xf32> to vector<16xf32>
      %max3A = arith.maximumf %scan3A_382, %get3A_400 : vector<16xf32>
      %get3A_401 = arith.index_cast %scan3A_381 : i32 to index
      %get3A_402 = arith.constant 16 : index
      %get3A_403 = tpu.vector_load %arg4[%get3A_401, %get3A_402] {strides = array<i32>} : memref<256x256xf32, #tpu.memory_space<vmem>>, vector<1x16xf32>,
      %get3A_404 = vector.shape_cast %get3A_403 : vector<1x16xf32> to vector<16xf32>
      %max3A_405 = arith.maximumf %scan3A_383, %get3A_404 : vector<16xf32>
      %get3A_406 = arith.index_cast %scan3A_381 : i32 to index
      %get3A_407 = arith.constant 32 : index
      %get3A_408 = tpu.vector_load %arg4[%get3A_406, %get3A_407] {strides = array<i32>} : memref<256x256xf32, #tpu.memory_space<vmem>>, vector<1x16xf32>,
      %get3A_409 = vector.shape_cast %get3A_408 : vector<1x16xf32> to vector<16xf32>
      %max3A_410 = arith.maximumf %scan3A_384, %get3A_409 : vector<16xf32>
      %get3A_411 = arith.index_cast %scan3A_381 : i32 to index
      %get3A_412 = arith.constant 48 : index
      %get3A_413 = tpu.vector_load %arg4[%get3A_411, %get3A_412] {strides = array<i32>} : memref<256x256xf32, #tpu.memory_space<vmem>>, vector<1x16xf32>,
      %get3A_414 = vector.shape_cast %get3A_413 : vector<1x16xf32> to vector<16xf32>
      %max3A_415 = arith.maximumf %scan3A_385, %get3A_414 : vector<16xf32>
      %get3A_416 = arith.index_cast %scan3A_381 : i32 to index
      %get3A_417 = arith.constant 64 : index
      %get3A_418 = tpu.vector_load %arg4[%get3A_416, %get3A_417] {strides = array<i32>} : memref<256x256xf32, #tpu.memory_space<vmem>>, vector<1x16xf32>,
      %get3A_419 = vector.shape_cast %get3A_418 : vector<1x16xf32> to vector<16xf32>
      %max3A_420 = arith.maximumf %scan3A_386, %get3A_419 : vector<16xf32>
      %get3A_421 = arith.index_cast %scan3A_381 : i32 to index
      %get3A_422 = arith.constant 80 : index
      %get3A_423 = tpu.vector_load %arg4[%get3A_421, %get3A_422] {strides = array<i32>} : memref<256x256xf32, #tpu.memory_space<vmem>>, vector<1x16xf32>,
      %get3A_424 = vector.shape_cast %get3A_423 : vector<1x16xf32> to vector<16xf32>
      %max3A_425 = arith.maximumf %scan3A_387, %get3A_424 : vector<16xf32>
      %get3A_426 = arith.index_cast %scan3A_381 : i32 to index
      %get3A_427 = arith.constant 96 : index
      %get3A_428 = tpu.vector_load %arg4[%get3A_426, %get3A_427] {strides = array<i32>} : memref<256x256xf32, #tpu.memory_space<vmem>>, vector<1x16xf32>,
      %get3A_429 = vector.shape_cast %get3A_428 : vector<1x16xf32> to vector<16xf32>
      %max3A_430 = arith.maximumf %scan3A_388, %get3A_429 : vector<16xf32>
      %get3A_431 = arith.index_cast %scan3A_381 : i32 to index
      %get3A_432 = arith.constant 112 : index
      %get3A_433 = tpu.vector_load %arg4[%get3A_431, %get3A_432] {strides = array<i32>} : memref<256x256xf32, #tpu.memory_space<vmem>>, vector<1x16xf32>,
      %get3A_434 = vector.shape_cast %get3A_433 : vector<1x16xf32> to vector<16xf32>
      %max3A_435 = arith.maximumf %scan3A_389, %get3A_434 : vector<16xf32>
      %get3A_436 = arith.index_cast %scan3A_381 : i32 to index
      %get3A_437 = arith.constant 128 : index
      %get3A_438 = tpu.vector_load %arg4[%get3A_436, %get3A_437] {strides = array<i32>} : memref<256x256xf32, #tpu.memory_space<vmem>>, vector<1x16xf32>,
      %get3A_439 = vector.shape_cast %get3A_438 : vector<1x16xf32> to vector<16xf32>
      %max3A_440 = arith.maximumf %scan3A_390, %get3A_439 : vector<16xf32>
      %get3A_441 = arith.index_cast %scan3A_381 : i32 to index
      %get3A_442 = arith.constant 144 : index
      %get3A_443 = tpu.vector_load %arg4[%get3A_441, %get3A_442] {strides = array<i32>} : memref<256x256xf32, #tpu.memory_space<vmem>>, vector<1x16xf32>,
      %get3A_444 = vector.shape_cast %get3A_443 : vector<1x16xf32> to vector<16xf32>
      %max3A_445 = arith.maximumf %scan3A_391, %get3A_444 : vector<16xf32>
      %get3A_446 = arith.index_cast %scan3A_381 : i32 to index
      %get3A_447 = arith.constant 160 : index
      %get3A_448 = tpu.vector_load %arg4[%get3A_446, %get3A_447] {strides = array<i32>} : memref<256x256xf32, #tpu.memory_space<vmem>>, vector<1x16xf32>,
      %get3A_449 = vector.shape_cast %get3A_448 : vector<1x16xf32> to vector<16xf32>
      %max3A_450 = arith.maximumf %scan3A_392, %get3A_449 : vector<16xf32>
      %get3A_451 = arith.index_cast %scan3A_381 : i32 to index
      %get3A_452 = arith.constant 176 : index
      %get3A_453 = tpu.vector_load %arg4[%get3A_451, %get3A_452] {strides = array<i32>} : memref<256x256xf32, #tpu.memory_space<vmem>>, vector<1x16xf32>,
      %get3A_454 = vector.shape_cast %get3A_453 : vector<1x16xf32> to vector<16xf32>
      %max3A_455 = arith.maximumf %scan3A_393, %get3A_454 : vector<16xf32>
      %get3A_456 = arith.index_cast %scan3A_381 : i32 to index
      %get3A_457 = arith.constant 192 : index
      %get3A_458 = tpu.vector_load %arg4[%get3A_456, %get3A_457] {strides = array<i32>} : memref<256x256xf32, #tpu.memory_space<vmem>>, vector<1x16xf32>,
      %get3A_459 = vector.shape_cast %get3A_458 : vector<1x16xf32> to vector<16xf32>
      %max3A_460 = arith.maximumf %scan3A_394, %get3A_459 : vector<16xf32>
      %get3A_461 = arith.index_cast %scan3A_381 : i32 to index
      %get3A_462 = arith.constant 208 : index
      %get3A_463 = tpu.vector_load %arg4[%get3A_461, %get3A_462] {strides = array<i32>} : memref<256x256xf32, #tpu.memory_space<vmem>>, vector<1x16xf32>,
      %get3A_464 = vector.shape_cast %get3A_463 : vector<1x16xf32> to vector<16xf32>
      %max3A_465 = arith.maximumf %scan3A_395, %get3A_464 : vector<16xf32>
      %get3A_466 = arith.index_cast %scan3A_381 : i32 to index
      %get3A_467 = arith.constant 224 : index
      %get3A_468 = tpu.vector_load %arg4[%get3A_466, %get3A_467] {strides = array<i32>} : memref<256x256xf32, #tpu.memory_space<vmem>>, vector<1x16xf32>,
      %get3A_469 = vector.shape_cast %get3A_468 : vector<1x16xf32> to vector<16xf32>
      %max3A_470 = arith.maximumf %scan3A_396, %get3A_469 : vector<16xf32>
      %get3A_471 = arith.index_cast %scan3A_381 : i32 to index
      %get3A_472 = arith.constant 240 : index
      %get3A_473 = tpu.vector_load %arg4[%get3A_471, %get3A_472] {strides = array<i32>} : memref<256x256xf32, #tpu.memory_space<vmem>>, vector<1x16xf32>,
      %get3A_474 = vector.shape_cast %get3A_473 : vector<1x16xf32> to vector<16xf32>
      %max3A_475 = arith.maximumf %scan3A_397, %get3A_474 : vector<16xf32>
      scf.yield %max3A, %max3A_405, %max3A_410, %max3A_415, %max3A_420, %max3A_425, %max3A_430, %max3A_435, %max3A_440, %max3A_445, %max3A_450, %max3A_455, %max3A_460, %max3A_465, %max3A_470, %max3A_475 : vector<16xf32>, vector<16xf32>, vector<16xf32>, vector<16xf32>, vector<16xf32>, vector<16xf32>, vector<16xf32>, vector<16xf32>, vector<16xf32>, vector<16xf32>, vector<16xf32>, vector<16xf32>, vector<16xf32>, vector<16xf32>, vector<16xf32>, vector<16xf32>
    }
    %scan3A_40 = arith.constant 256 : i32
    %broadcast_in_dim3A_41 = arith.constant 0.000000e+00 : f32
    %broadcast_in_dim3A_42 = vector.broadcast %broadcast_in_dim3A_41 : f32 to vector<16xf32>
    %broadcast_in_dim3A_43 = arith.constant 0.000000e+00 : f32
    %broadcast_in_dim3A_44 = vector.broadcast %broadcast_in_dim3A_43 : f32 to vector<16xf32>
    %broadcast_in_dim3A_45 = arith.constant 0.000000e+00 : f32
    %broadcast_in_dim3A_46 = vector.broadcast %broadcast_in_dim3A_45 : f32 to vector<16xf32>
    %broadcast_in_dim3A_47 = arith.constant 0.000000e+00 : f32
    %broadcast_in_dim3A_48 = vector.broadcast %broadcast_in_dim3A_47 : f32 to vector<16xf32>
    %broadcast_in_dim3A_49 = arith.constant 0.000000e+00 : f32
    %broadcast_in_dim3A_50 = vector.broadcast %broadcast_in_dim3A_49 : f32 to vector<16xf32>
    %broadcast_in_dim3A_51 = arith.constant 0.000000e+00 : f32
    %broadcast_in_dim3A_52 = vector.broadcast %broadcast_in_dim3A_51 : f32 to vector<16xf32>
    %broadcast_in_dim3A_53 = arith.constant 0.000000e+00 : f32
    %broadcast_in_dim3A_54 = vector.broadcast %broadcast_in_dim3A_53 : f32 to vector<16xf32>
    %broadcast_in_dim3A_55 = arith.constant 0.000000e+00 : f32
    %broadcast_in_dim3A_56 = vector.broadcast %broadcast_in_dim3A_55 : f32 to vector<16xf32>
    %broadcast_in_dim3A_57 = arith.constant 0.000000e+00 : f32
    %broadcast_in_dim3A_58 = vector.broadcast %broadcast_in_dim3A_57 : f32 to vector<16xf32>
    %broadcast_in_dim3A_59 = arith.constant 0.000000e+00 : f32
    %broadcast_in_dim3A_60 = vector.broadcast %broadcast_in_dim3A_59 : f32 to vector<16xf32>
    %broadcast_in_dim3A_61 = arith.constant 0.000000e+00 : f32
    %broadcast_in_dim3A_62 = vector.broadcast %broadcast_in_dim3A_61 : f32 to vector<16xf32>
    %broadcast_in_dim3A_63 = arith.constant 0.000000e+00 : f32
    %broadcast_in_dim3A_64 = vector.broadcast %broadcast_in_dim3A_63 : f32 to vector<16xf32>
    %broadcast_in_dim3A_65 = arith.constant 0.000000e+00 : f32
    %broadcast_in_dim3A_66 = vector.broadcast %broadcast_in_dim3A_65 : f32 to vector<16xf32>
    %broadcast_in_dim3A_67 = arith.constant 0.000000e+00 : f32
    %broadcast_in_dim3A_68 = vector.broadcast %broadcast_in_dim3A_67 : f32 to vector<16xf32>
    %broadcast_in_dim3A_69 = arith.constant 0.000000e+00 : f32
    %broadcast_in_dim3A_70 = vector.broadcast %broadcast_in_dim3A_69 : f32 to vector<16xf32>
    %broadcast_in_dim3A_71 = arith.constant 0.000000e+00 : f32
    %broadcast_in_dim3A_72 = vector.broadcast %broadcast_in_dim3A_71 : f32 to vector<16xf32>
    %scan3A_73 = arith.constant 0 : i32
    %scan3A_74 = arith.constant 256 : i32
    %scan3A_75 = arith.addi %scan3A_73, %scan3A_74 : i32
    %scan3A_76 = arith.constant 1 : i32
    %scan3A_77:16 = scf.for %scan3A_381 = %scan3A_73 to %scan3A_75 step %scan3A_76 iter_args(%scan3A_382 = %broadcast_in_dim3A_42, %scan3A_383 = %broadcast_in_dim3A_44, %scan3A_384 = %broadcast_in_dim3A_46, %scan3A_385 = %broadcast_in_dim3A_48, %scan3A_386 = %broadcast_in_dim3A_50, %scan3A_387 = %broadcast_in_dim3A_52, %scan3A_388 = %broadcast_in_dim3A_54, %scan3A_389 = %broadcast_in_dim3A_56, %scan3A_390 = %broadcast_in_dim3A_58, %scan3A_391 = %broadcast_in_dim3A_60, %scan3A_392 = %broadcast_in_dim3A_62, %scan3A_393 = %broadcast_in_dim3A_64, %scan3A_394 = %broadcast_in_dim3A_66, %scan3A_395 = %broadcast_in_dim3A_68, %scan3A_396 = %broadcast_in_dim3A_70, %scan3A_397 = %broadcast_in_dim3A_72) -> (vector<16xf32>, vector<16xf32>, vector<16xf32>, vector<16xf32>, vector<16xf32>, vector<16xf32>, vector<16xf32>, vector<16xf32>, vector<16xf32>, vector<16xf32>, vector<16xf32>, vector<16xf32>, vector<16xf32>, vector<16xf32>, vector<16xf32>, vector<16xf32>)  : i32 {
      %get3A = arith.index_cast %scan3A_381 : i32 to index
      %get3A_398 = arith.constant 0 : index
      %get3A_399 = tpu.vector_load %arg4[%get3A, %get3A_398] {strides = array<i32>} : memref<256x256xf32, #tpu.memory_space<vmem>>, vector<1x16xf32>,
      %get3A_400 = vector.shape_cast %get3A_399 : vector<1x16xf32> to vector<16xf32>
      %sub3A = arith.subf %get3A_400, %scan3A_39#0 : vector<16xf32>
      %exp3A = math.exp %sub3A : vector<16xf32>
      %add3A_401 = arith.addf %scan3A_382, %exp3A : vector<16xf32>
      %get3A_402 = arith.index_cast %scan3A_381 : i32 to index
      %get3A_403 = arith.constant 16 : index
      %get3A_404 = tpu.vector_load %arg4[%get3A_402, %get3A_403] {strides = array<i32>} : memref<256x256xf32, #tpu.memory_space<vmem>>, vector<1x16xf32>,
      %get3A_405 = vector.shape_cast %get3A_404 : vector<1x16xf32> to vector<16xf32>
      %sub3A_406 = arith.subf %get3A_405, %scan3A_39#1 : vector<16xf32>
      %exp3A_407 = math.exp %sub3A_406 : vector<16xf32>
      %add3A_408 = arith.addf %scan3A_383, %exp3A_407 : vector<16xf32>
      %get3A_409 = arith.index_cast %scan3A_381 : i32 to index
      %get3A_410 = arith.constant 32 : index
      %get3A_411 = tpu.vector_load %arg4[%get3A_409, %get3A_410] {strides = array<i32>} : memref<256x256xf32, #tpu.memory_space<vmem>>, vector<1x16xf32>,
      %get3A_412 = vector.shape_cast %get3A_411 : vector<1x16xf32> to vector<16xf32>
      %sub3A_413 = arith.subf %get3A_412, %scan3A_39#2 : vector<16xf32>
      %exp3A_414 = math.exp %sub3A_413 : vector<16xf32>
      %add3A_415 = arith.addf %scan3A_384, %exp3A_414 : vector<16xf32>
      %get3A_416 = arith.index_cast %scan3A_381 : i32 to index
      %get3A_417 = arith.constant 48 : index
      %get3A_418 = tpu.vector_load %arg4[%get3A_416, %get3A_417] {strides = array<i32>} : memref<256x256xf32, #tpu.memory_space<vmem>>, vector<1x16xf32>,
      %get3A_419 = vector.shape_cast %get3A_418 : vector<1x16xf32> to vector<16xf32>
      %sub3A_420 = arith.subf %get3A_419, %scan3A_39#3 : vector<16xf32>
      %exp3A_421 = math.exp %sub3A_420 : vector<16xf32>
      %add3A_422 = arith.addf %scan3A_385, %exp3A_421 : vector<16xf32>
      %get3A_423 = arith.index_cast %scan3A_381 : i32 to index
      %get3A_424 = arith.constant 64 : index
      %get3A_425 = tpu.vector_load %arg4[%get3A_423, %get3A_424] {strides = array<i32>} : memref<256x256xf32, #tpu.memory_space<vmem>>, vector<1x16xf32>,
      %get3A_426 = vector.shape_cast %get3A_425 : vector<1x16xf32> to vector<16xf32>
      %sub3A_427 = arith.subf %get3A_426, %scan3A_39#4 : vector<16xf32>
      %exp3A_428 = math.exp %sub3A_427 : vector<16xf32>
      %add3A_429 = arith.addf %scan3A_386, %exp3A_428 : vector<16xf32>
      %get3A_430 = arith.index_cast %scan3A_381 : i32 to index
      %get3A_431 = arith.constant 80 : index
      %get3A_432 = tpu.vector_load %arg4[%get3A_430, %get3A_431] {strides = array<i32>} : memref<256x256xf32, #tpu.memory_space<vmem>>, vector<1x16xf32>,
      %get3A_433 = vector.shape_cast %get3A_432 : vector<1x16xf32> to vector<16xf32>
      %sub3A_434 = arith.subf %get3A_433, %scan3A_39#5 : vector<16xf32>
      %exp3A_435 = math.exp %sub3A_434 : vector<16xf32>
      %add3A_436 = arith.addf %scan3A_387, %exp3A_435 : vector<16xf32>
      %get3A_437 = arith.index_cast %scan3A_381 : i32 to index
      %get3A_438 = arith.constant 96 : index
      %get3A_439 = tpu.vector_load %arg4[%get3A_437, %get3A_438] {strides = array<i32>} : memref<256x256xf32, #tpu.memory_space<vmem>>, vector<1x16xf32>,
      %get3A_440 = vector.shape_cast %get3A_439 : vector<1x16xf32> to vector<16xf32>
      %sub3A_441 = arith.subf %get3A_440, %scan3A_39#6 : vector<16xf32>
      %exp3A_442 = math.exp %sub3A_441 : vector<16xf32>
      %add3A_443 = arith.addf %scan3A_388, %exp3A_442 : vector<16xf32>
      %get3A_444 = arith.index_cast %scan3A_381 : i32 to index
      %get3A_445 = arith.constant 112 : index
      %get3A_446 = tpu.vector_load %arg4[%get3A_444, %get3A_445] {strides = array<i32>} : memref<256x256xf32, #tpu.memory_space<vmem>>, vector<1x16xf32>,
      %get3A_447 = vector.shape_cast %get3A_446 : vector<1x16xf32> to vector<16xf32>
      %sub3A_448 = arith.subf %get3A_447, %scan3A_39#7 : vector<16xf32>
      %exp3A_449 = math.exp %sub3A_448 : vector<16xf32>
      %add3A_450 = arith.addf %scan3A_389, %exp3A_449 : vector<16xf32>
      %get3A_451 = arith.index_cast %scan3A_381 : i32 to index
      %get3A_452 = arith.constant 128 : index
      %get3A_453 = tpu.vector_load %arg4[%get3A_451, %get3A_452] {strides = array<i32>} : memref<256x256xf32, #tpu.memory_space<vmem>>, vector<1x16xf32>,
      %get3A_454 = vector.shape_cast %get3A_453 : vector<1x16xf32> to vector<16xf32>
      %sub3A_455 = arith.subf %get3A_454, %scan3A_39#8 : vector<16xf32>
      %exp3A_456 = math.exp %sub3A_455 : vector<16xf32>
      %add3A_457 = arith.addf %scan3A_390, %exp3A_456 : vector<16xf32>
      %get3A_458 = arith.index_cast %scan3A_381 : i32 to index
      %get3A_459 = arith.constant 144 : index
      %get3A_460 = tpu.vector_load %arg4[%get3A_458, %get3A_459] {strides = array<i32>} : memref<256x256xf32, #tpu.memory_space<vmem>>, vector<1x16xf32>,
      %get3A_461 = vector.shape_cast %get3A_460 : vector<1x16xf32> to vector<16xf32>
      %sub3A_462 = arith.subf %get3A_461, %scan3A_39#9 : vector<16xf32>
      %exp3A_463 = math.exp %sub3A_462 : vector<16xf32>
      %add3A_464 = arith.addf %scan3A_391, %exp3A_463 : vector<16xf32>
      %get3A_465 = arith.index_cast %scan3A_381 : i32 to index
      %get3A_466 = arith.constant 160 : index
      %get3A_467 = tpu.vector_load %arg4[%get3A_465, %get3A_466] {strides = array<i32>} : memref<256x256xf32, #tpu.memory_space<vmem>>, vector<1x16xf32>,
      %get3A_468 = vector.shape_cast %get3A_467 : vector<1x16xf32> to vector<16xf32>
      %sub3A_469 = arith.subf %get3A_468, %scan3A_39#10 : vector<16xf32>
      %exp3A_470 = math.exp %sub3A_469 : vector<16xf32>
      %add3A_471 = arith.addf %scan3A_392, %exp3A_470 : vector<16xf32>
      %get3A_472 = arith.index_cast %scan3A_381 : i32 to index
      %get3A_473 = arith.constant 176 : index
      %get3A_474 = tpu.vector_load %arg4[%get3A_472, %get3A_473] {strides = array<i32>} : memref<256x256xf32, #tpu.memory_space<vmem>>, vector<1x16xf32>,
      %get3A_475 = vector.shape_cast %get3A_474 : vector<1x16xf32> to vector<16xf32>
      %sub3A_476 = arith.subf %get3A_475, %scan3A_39#11 : vector<16xf32>
      %exp3A_477 = math.exp %sub3A_476 : vector<16xf32>
      %add3A_478 = arith.addf %scan3A_393, %exp3A_477 : vector<16xf32>
      %get3A_479 = arith.index_cast %scan3A_381 : i32 to index
      %get3A_480 = arith.constant 192 : index
      %get3A_481 = tpu.vector_load %arg4[%get3A_479, %get3A_480] {strides = array<i32>} : memref<256x256xf32, #tpu.memory_space<vmem>>, vector<1x16xf32>,
      %get3A_482 = vector.shape_cast %get3A_481 : vector<1x16xf32> to vector<16xf32>
      %sub3A_483 = arith.subf %get3A_482, %scan3A_39#12 : vector<16xf32>
      %exp3A_484 = math.exp %sub3A_483 : vector<16xf32>
      %add3A_485 = arith.addf %scan3A_394, %exp3A_484 : vector<16xf32>
      %get3A_486 = arith.index_cast %scan3A_381 : i32 to index
      %get3A_487 = arith.constant 208 : index
      %get3A_488 = tpu.vector_load %arg4[%get3A_486, %get3A_487] {strides = array<i32>} : memref<256x256xf32, #tpu.memory_space<vmem>>, vector<1x16xf32>,
      %get3A_489 = vector.shape_cast %get3A_488 : vector<1x16xf32> to vector<16xf32>
      %sub3A_490 = arith.subf %get3A_489, %scan3A_39#13 : vector<16xf32>
      %exp3A_491 = math.exp %sub3A_490 : vector<16xf32>
      %add3A_492 = arith.addf %scan3A_395, %exp3A_491 : vector<16xf32>
      %get3A_493 = arith.index_cast %scan3A_381 : i32 to index
      %get3A_494 = arith.constant 224 : index
      %get3A_495 = tpu.vector_load %arg4[%get3A_493, %get3A_494] {strides = array<i32>} : memref<256x256xf32, #tpu.memory_space<vmem>>, vector<1x16xf32>,
      %get3A_496 = vector.shape_cast %get3A_495 : vector<1x16xf32> to vector<16xf32>
      %sub3A_497 = arith.subf %get3A_496, %scan3A_39#14 : vector<16xf32>
      %exp3A_498 = math.exp %sub3A_497 : vector<16xf32>
      %add3A_499 = arith.addf %scan3A_396, %exp3A_498 : vector<16xf32>
      %get3A_500 = arith.index_cast %scan3A_381 : i32 to index
      %get3A_501 = arith.constant 240 : index
      %get3A_502 = tpu.vector_load %arg4[%get3A_500, %get3A_501] {strides = array<i32>} : memref<256x256xf32, #tpu.memory_space<vmem>>, vector<1x16xf32>,
      %get3A_503 = vector.shape_cast %get3A_502 : vector<1x16xf32> to vector<16xf32>
      %sub3A_504 = arith.subf %get3A_503, %scan3A_39#15 : vector<16xf32>
      %exp3A_505 = math.exp %sub3A_504 : vector<16xf32>
      %add3A_506 = arith.addf %scan3A_397, %exp3A_505 : vector<16xf32>
      scf.yield %add3A_401, %add3A_408, %add3A_415, %add3A_422, %add3A_429, %add3A_436, %add3A_443, %add3A_450, %add3A_457, %add3A_464, %add3A_471, %add3A_478, %add3A_485, %add3A_492, %add3A_499, %add3A_506 : vector<16xf32>, vector<16xf32>, vector<16xf32>, vector<16xf32>, vector<16xf32>, vector<16xf32>, vector<16xf32>, vector<16xf32>, vector<16xf32>, vector<16xf32>, vector<16xf32>, vector<16xf32>, vector<16xf32>, vector<16xf32>, vector<16xf32>, vector<16xf32>
    }
    %scan3A_78 = arith.constant 256 : i32
    %div3A = arith.constant 1.000000e+00 : f32
    %div3A_79 = vector.broadcast %div3A : f32 to vector<16xf32>
    %div3A_80 = arith.divf %div3A_79, %scan3A_77#0 : vector<16xf32>
    %swap3A = arith.constant 0 : index
    %swap3A_81 = tpu.vector_load %arg5[%swap3A] {strides = array<i32>} : memref<256xf32, #tpu.memory_space<vmem>>, vector<16xf32>,
    %swap3A_82 = vector.shape_cast %swap3A_81 : vector<16xf32> to vector<16xf32>
    %swap3A_83 = vector.shape_cast %div3A_80 : vector<16xf32> to vector<16xf32>
    tpu.vector_store %arg5[%swap3A], %swap3A_83 {strides = array<i32>} : memref<256xf32, #tpu.memory_space<vmem>>, vector<16xf32>,
    %div3A_84 = arith.constant 1.000000e+00 : f32
    %div3A_85 = vector.broadcast %div3A_84 : f32 to vector<16xf32>
    %div3A_86 = arith.divf %div3A_85, %scan3A_77#1 : vector<16xf32>
    %swap3A_87 = arith.constant 16 : index
    %swap3A_88 = tpu.vector_load %arg5[%swap3A_87] {strides = array<i32>} : memref<256xf32, #tpu.memory_space<vmem>>, vector<16xf32>,
    %swap3A_89 = vector.shape_cast %swap3A_88 : vector<16xf32> to vector<16xf32>
    %swap3A_90 = vector.shape_cast %div3A_86 : vector<16xf32> to vector<16xf32>
    tpu.vector_store %arg5[%swap3A_87], %swap3A_90 {strides = array<i32>} : memref<256xf32, #tpu.memory_space<vmem>>, vector<16xf32>,
    %div3A_91 = arith.constant 1.000000e+00 : f32
    %div3A_92 = vector.broadcast %div3A_91 : f32 to vector<16xf32>
    %div3A_93 = arith.divf %div3A_92, %scan3A_77#2 : vector<16xf32>
    %swap3A_94 = arith.constant 32 : index
    %swap3A_95 = tpu.vector_load %arg5[%swap3A_94] {strides = array<i32>} : memref<256xf32, #tpu.memory_space<vmem>>, vector<16xf32>,
    %swap3A_96 = vector.shape_cast %swap3A_95 : vector<16xf32> to vector<16xf32>
    %swap3A_97 = vector.shape_cast %div3A_93 : vector<16xf32> to vector<16xf32>
    tpu.vector_store %arg5[%swap3A_94], %swap3A_97 {strides = array<i32>} : memref<256xf32, #tpu.memory_space<vmem>>, vector<16xf32>,
    %div3A_98 = arith.constant 1.000000e+00 : f32
    %div3A_99 = vector.broadcast %div3A_98 : f32 to vector<16xf32>
    %div3A_100 = arith.divf %div3A_99, %scan3A_77#3 : vector<16xf32>
    %swap3A_101 = arith.constant 48 : index
    %swap3A_102 = tpu.vector_load %arg5[%swap3A_101] {strides = array<i32>} : memref<256xf32, #tpu.memory_space<vmem>>, vector<16xf32>,
    %swap3A_103 = vector.shape_cast %swap3A_102 : vector<16xf32> to vector<16xf32>
    %swap3A_104 = vector.shape_cast %div3A_100 : vector<16xf32> to vector<16xf32>
    tpu.vector_store %arg5[%swap3A_101], %swap3A_104 {strides = array<i32>} : memref<256xf32, #tpu.memory_space<vmem>>, vector<16xf32>,
    %div3A_105 = arith.constant 1.000000e+00 : f32
    %div3A_106 = vector.broadcast %div3A_105 : f32 to vector<16xf32>
    %div3A_107 = arith.divf %div3A_106, %scan3A_77#4 : vector<16xf32>
    %swap3A_108 = arith.constant 64 : index
    %swap3A_109 = tpu.vector_load %arg5[%swap3A_108] {strides = array<i32>} : memref<256xf32, #tpu.memory_space<vmem>>, vector<16xf32>,
    %swap3A_110 = vector.shape_cast %swap3A_109 : vector<16xf32> to vector<16xf32>
    %swap3A_111 = vector.shape_cast %div3A_107 : vector<16xf32> to vector<16xf32>
    tpu.vector_store %arg5[%swap3A_108], %swap3A_111 {strides = array<i32>} : memref<256xf32, #tpu.memory_space<vmem>>, vector<16xf32>,
    %div3A_112 = arith.constant 1.000000e+00 : f32
    %div3A_113 = vector.broadcast %div3A_112 : f32 to vector<16xf32>
    %div3A_114 = arith.divf %div3A_113, %scan3A_77#5 : vector<16xf32>
    %swap3A_115 = arith.constant 80 : index
    %swap3A_116 = tpu.vector_load %arg5[%swap3A_115] {strides = array<i32>} : memref<256xf32, #tpu.memory_space<vmem>>, vector<16xf32>,
    %swap3A_117 = vector.shape_cast %swap3A_116 : vector<16xf32> to vector<16xf32>
    %swap3A_118 = vector.shape_cast %div3A_114 : vector<16xf32> to vector<16xf32>
    tpu.vector_store %arg5[%swap3A_115], %swap3A_118 {strides = array<i32>} : memref<256xf32, #tpu.memory_space<vmem>>, vector<16xf32>,
    %div3A_119 = arith.constant 1.000000e+00 : f32
    %div3A_120 = vector.broadcast %div3A_119 : f32 to vector<16xf32>
    %div3A_121 = arith.divf %div3A_120, %scan3A_77#6 : vector<16xf32>
    %swap3A_122 = arith.constant 96 : index
    %swap3A_123 = tpu.vector_load %arg5[%swap3A_122] {strides = array<i32>} : memref<256xf32, #tpu.memory_space<vmem>>, vector<16xf32>,
    %swap3A_124 = vector.shape_cast %swap3A_123 : vector<16xf32> to vector<16xf32>
    %swap3A_125 = vector.shape_cast %div3A_121 : vector<16xf32> to vector<16xf32>
    tpu.vector_store %arg5[%swap3A_122], %swap3A_125 {strides = array<i32>} : memref<256xf32, #tpu.memory_space<vmem>>, vector<16xf32>,
    %div3A_126 = arith.constant 1.000000e+00 : f32
    %div3A_127 = vector.broadcast %div3A_126 : f32 to vector<16xf32>
    %div3A_128 = arith.divf %div3A_127, %scan3A_77#7 : vector<16xf32>
    %swap3A_129 = arith.constant 112 : index
    %swap3A_130 = tpu.vector_load %arg5[%swap3A_129] {strides = array<i32>} : memref<256xf32, #tpu.memory_space<vmem>>, vector<16xf32>,
    %swap3A_131 = vector.shape_cast %swap3A_130 : vector<16xf32> to vector<16xf32>
    %swap3A_132 = vector.shape_cast %div3A_128 : vector<16xf32> to vector<16xf32>
    tpu.vector_store %arg5[%swap3A_129], %swap3A_132 {strides = array<i32>} : memref<256xf32, #tpu.memory_space<vmem>>, vector<16xf32>,
    %div3A_133 = arith.constant 1.000000e+00 : f32
    %div3A_134 = vector.broadcast %div3A_133 : f32 to vector<16xf32>
    %div3A_135 = arith.divf %div3A_134, %scan3A_77#8 : vector<16xf32>
    %swap3A_136 = arith.constant 128 : index
    %swap3A_137 = tpu.vector_load %arg5[%swap3A_136] {strides = array<i32>} : memref<256xf32, #tpu.memory_space<vmem>>, vector<16xf32>,
    %swap3A_138 = vector.shape_cast %swap3A_137 : vector<16xf32> to vector<16xf32>
    %swap3A_139 = vector.shape_cast %div3A_135 : vector<16xf32> to vector<16xf32>
    tpu.vector_store %arg5[%swap3A_136], %swap3A_139 {strides = array<i32>} : memref<256xf32, #tpu.memory_space<vmem>>, vector<16xf32>,
    %div3A_140 = arith.constant 1.000000e+00 : f32
    %div3A_141 = vector.broadcast %div3A_140 : f32 to vector<16xf32>
    %div3A_142 = arith.divf %div3A_141, %scan3A_77#9 : vector<16xf32>
    %swap3A_143 = arith.constant 144 : index
    %swap3A_144 = tpu.vector_load %arg5[%swap3A_143] {strides = array<i32>} : memref<256xf32, #tpu.memory_space<vmem>>, vector<16xf32>,
    %swap3A_145 = vector.shape_cast %swap3A_144 : vector<16xf32> to vector<16xf32>
    %swap3A_146 = vector.shape_cast %div3A_142 : vector<16xf32> to vector<16xf32>
    tpu.vector_store %arg5[%swap3A_143], %swap3A_146 {strides = array<i32>} : memref<256xf32, #tpu.memory_space<vmem>>, vector<16xf32>,
    %div3A_147 = arith.constant 1.000000e+00 : f32
    %div3A_148 = vector.broadcast %div3A_147 : f32 to vector<16xf32>
    %div3A_149 = arith.divf %div3A_148, %scan3A_77#10 : vector<16xf32>
    %swap3A_150 = arith.constant 160 : index
    %swap3A_151 = tpu.vector_load %arg5[%swap3A_150] {strides = array<i32>} : memref<256xf32, #tpu.memory_space<vmem>>, vector<16xf32>,
    %swap3A_152 = vector.shape_cast %swap3A_151 : vector<16xf32> to vector<16xf32>
    %swap3A_153 = vector.shape_cast %div3A_149 : vector<16xf32> to vector<16xf32>
    tpu.vector_store %arg5[%swap3A_150], %swap3A_153 {strides = array<i32>} : memref<256xf32, #tpu.memory_space<vmem>>, vector<16xf32>,
    %div3A_154 = arith.constant 1.000000e+00 : f32
    %div3A_155 = vector.broadcast %div3A_154 : f32 to vector<16xf32>
    %div3A_156 = arith.divf %div3A_155, %scan3A_77#11 : vector<16xf32>
    %swap3A_157 = arith.constant 176 : index
    %swap3A_158 = tpu.vector_load %arg5[%swap3A_157] {strides = array<i32>} : memref<256xf32, #tpu.memory_space<vmem>>, vector<16xf32>,
    %swap3A_159 = vector.shape_cast %swap3A_158 : vector<16xf32> to vector<16xf32>
    %swap3A_160 = vector.shape_cast %div3A_156 : vector<16xf32> to vector<16xf32>
    tpu.vector_store %arg5[%swap3A_157], %swap3A_160 {strides = array<i32>} : memref<256xf32, #tpu.memory_space<vmem>>, vector<16xf32>,
    %div3A_161 = arith.constant 1.000000e+00 : f32
    %div3A_162 = vector.broadcast %div3A_161 : f32 to vector<16xf32>
    %div3A_163 = arith.divf %div3A_162, %scan3A_77#12 : vector<16xf32>
    %swap3A_164 = arith.constant 192 : index
    %swap3A_165 = tpu.vector_load %arg5[%swap3A_164] {strides = array<i32>} : memref<256xf32, #tpu.memory_space<vmem>>, vector<16xf32>,
    %swap3A_166 = vector.shape_cast %swap3A_165 : vector<16xf32> to vector<16xf32>
    %swap3A_167 = vector.shape_cast %div3A_163 : vector<16xf32> to vector<16xf32>
    tpu.vector_store %arg5[%swap3A_164], %swap3A_167 {strides = array<i32>} : memref<256xf32, #tpu.memory_space<vmem>>, vector<16xf32>,
    %div3A_168 = arith.constant 1.000000e+00 : f32
    %div3A_169 = vector.broadcast %div3A_168 : f32 to vector<16xf32>
    %div3A_170 = arith.divf %div3A_169, %scan3A_77#13 : vector<16xf32>
    %swap3A_171 = arith.constant 208 : index
    %swap3A_172 = tpu.vector_load %arg5[%swap3A_171] {strides = array<i32>} : memref<256xf32, #tpu.memory_space<vmem>>, vector<16xf32>,
    %swap3A_173 = vector.shape_cast %swap3A_172 : vector<16xf32> to vector<16xf32>
    %swap3A_174 = vector.shape_cast %div3A_170 : vector<16xf32> to vector<16xf32>
    tpu.vector_store %arg5[%swap3A_171], %swap3A_174 {strides = array<i32>} : memref<256xf32, #tpu.memory_space<vmem>>, vector<16xf32>,
    %div3A_175 = arith.constant 1.000000e+00 : f32
    %div3A_176 = vector.broadcast %div3A_175 : f32 to vector<16xf32>
    %div3A_177 = arith.divf %div3A_176, %scan3A_77#14 : vector<16xf32>
    %swap3A_178 = arith.constant 224 : index
    %swap3A_179 = tpu.vector_load %arg5[%swap3A_178] {strides = array<i32>} : memref<256xf32, #tpu.memory_space<vmem>>, vector<16xf32>,
    %swap3A_180 = vector.shape_cast %swap3A_179 : vector<16xf32> to vector<16xf32>
    %swap3A_181 = vector.shape_cast %div3A_177 : vector<16xf32> to vector<16xf32>
    tpu.vector_store %arg5[%swap3A_178], %swap3A_181 {strides = array<i32>} : memref<256xf32, #tpu.memory_space<vmem>>, vector<16xf32>,
    %div3A_182 = arith.constant 1.000000e+00 : f32
    %div3A_183 = vector.broadcast %div3A_182 : f32 to vector<16xf32>
    %div3A_184 = arith.divf %div3A_183, %scan3A_77#15 : vector<16xf32>
    %swap3A_185 = arith.constant 240 : index
    %swap3A_186 = tpu.vector_load %arg5[%swap3A_185] {strides = array<i32>} : memref<256xf32, #tpu.memory_space<vmem>>, vector<16xf32>,
    %swap3A_187 = vector.shape_cast %swap3A_186 : vector<16xf32> to vector<16xf32>
    %swap3A_188 = vector.shape_cast %div3A_184 : vector<16xf32> to vector<16xf32>
    tpu.vector_store %arg5[%swap3A_185], %swap3A_188 {strides = array<i32>} : memref<256xf32, #tpu.memory_space<vmem>>, vector<16xf32>,
    "tpu.region"() ({
      %run_scoped3A = tpu.sem_alloc : memref<!tpu.dma_semaphore, #tpu.memory_space<semaphore_mem>>
      %dma_start3A = arith.constant 0 : i32
      %dma_start3A_381 = tpu.memref_slice %arg3[%add3A_4, %dma_start3A] : memref<64x256xf32, #tpu.memory_space<hbm>> -> memref<1x256xf32, #tpu.memory_space<hbm>>
      %dma_start3A_382 = tpu.memref_squeeze %dma_start3A_381 : memref<1x256xf32, #tpu.memory_space<hbm>> -> memref<256xf32, #tpu.memory_space<hbm>>
      %dma_start3A_383 = arith.constant 0 : i32
      %dma_start3A_384 = tpu.memref_slice %arg3[%add3A_4, %dma_start3A_383] : memref<64x256xf32, #tpu.memory_space<hbm>> -> memref<1x256xf32, #tpu.memory_space<hbm>>
      %dma_start3A_385 = tpu.memref_squeeze %dma_start3A_384 : memref<1x256xf32, #tpu.memory_space<hbm>> -> memref<256xf32, #tpu.memory_space<hbm>>
      tpu.enqueue_dma source(%arg5 : memref<256xf32, #tpu.memory_space<vmem>>) target(%dma_start3A_385 : memref<256xf32, #tpu.memory_space<hbm>>) target_semaphore(%run_scoped3A : memref<!tpu.dma_semaphore, #tpu.memory_space<semaphore_mem>>)
      %dma_wait3A = arith.constant 0 : i32
      %dma_wait3A_386 = tpu.memref_slice %arg3[%add3A_4, %dma_wait3A] : memref<64x256xf32, #tpu.memory_space<hbm>> -> memref<1x256xf32, #tpu.memory_space<hbm>>
      %dma_wait3A_387 = tpu.memref_squeeze %dma_wait3A_386 : memref<1x256xf32, #tpu.memory_space<hbm>> -> memref<256xf32, #tpu.memory_space<hbm>>
      %dma_wait3A_388 = arith.constant 0 : i32
      %dma_wait3A_389 = tpu.memref_slice %arg3[%add3A_4, %dma_wait3A_388] : memref<64x256xf32, #tpu.memory_space<hbm>> -> memref<1x256xf32, #tpu.memory_space<hbm>>
      %dma_wait3A_390 = tpu.memref_squeeze %dma_wait3A_389 : memref<1x256xf32, #tpu.memory_space<hbm>> -> memref<256xf32, #tpu.memory_space<hbm>>
      tpu.wait_dma2 semaphore(%run_scoped3A : memref<!tpu.dma_semaphore, #tpu.memory_space<semaphore_mem>>) src(%arg5 : memref<256xf32, #tpu.memory_space<vmem>>) dst(%dma_wait3A_390 : memref<256xf32, #tpu.memory_space<hbm>>)
      tpu.yield
    }) : () -> ()
    %mul3A_189 = arith.constant 2 : i32
    %mul3A_190 = arith.muli %add3A, %mul3A_189 : i32
    %add3A_191 = arith.constant 1 : i32
    %add3A_192 = arith.addi %mul3A_190, %add3A_191 : i32
    "tpu.region"() ({
      %run_scoped3A = tpu.sem_alloc : memref<!tpu.dma_semaphore, #tpu.memory_space<semaphore_mem>>
      %dma_start3A = arith.constant 0 : i32
      %dma_start3A_381 = arith.constant 0 : i32
      %dma_start3A_382 = tpu.memref_slice %arg2[%add3A_192, %dma_start3A, %dma_start3A_381] : memref<128x256x256xf32, #tpu.memory_space<hbm>> -> memref<1x256x256xf32, #tpu.memory_space<hbm>>
      %dma_start3A_383 = tpu.memref_squeeze %dma_start3A_382 : memref<1x256x256xf32, #tpu.memory_space<hbm>> -> memref<256x256xf32, #tpu.memory_space<hbm>>
      %dma_start3A_384 = arith.constant 0 : i32
      %dma_start3A_385 = arith.constant 0 : i32
      %dma_start3A_386 = tpu.memref_slice %arg2[%add3A_192, %dma_start3A_384, %dma_start3A_385] : memref<128x256x256xf32, #tpu.memory_space<hbm>> -> memref<1x256x256xf32, #tpu.memory_space<hbm>>
      %dma_start3A_387 = tpu.memref_squeeze %dma_start3A_386 : memref<1x256x256xf32, #tpu.memory_space<hbm>> -> memref<256x256xf32, #tpu.memory_space<hbm>>
      tpu.enqueue_dma source(%dma_start3A_387 : memref<256x256xf32, #tpu.memory_space<hbm>>) target(%arg4 : memref<256x256xf32, #tpu.memory_space<vmem>>) target_semaphore(%run_scoped3A : memref<!tpu.dma_semaphore, #tpu.memory_space<semaphore_mem>>)
      %dma_wait3A = arith.constant 0 : i32
      %dma_wait3A_388 = arith.constant 0 : i32
      %dma_wait3A_389 = tpu.memref_slice %arg2[%add3A_192, %dma_wait3A, %dma_wait3A_388] : memref<128x256x256xf32, #tpu.memory_space<hbm>> -> memref<1x256x256xf32, #tpu.memory_space<hbm>>
      %dma_wait3A_390 = tpu.memref_squeeze %dma_wait3A_389 : memref<1x256x256xf32, #tpu.memory_space<hbm>> -> memref<256x256xf32, #tpu.memory_space<hbm>>
      %dma_wait3A_391 = arith.constant 0 : i32
      %dma_wait3A_392 = arith.constant 0 : i32
      %dma_wait3A_393 = tpu.memref_slice %arg2[%add3A_192, %dma_wait3A_391, %dma_wait3A_392] : memref<128x256x256xf32, #tpu.memory_space<hbm>> -> memref<1x256x256xf32, #tpu.memory_space<hbm>>
      %dma_wait3A_394 = tpu.memref_squeeze %dma_wait3A_393 : memref<1x256x256xf32, #tpu.memory_space<hbm>> -> memref<256x256xf32, #tpu.memory_space<hbm>>
      tpu.wait_dma2 semaphore(%run_scoped3A : memref<!tpu.dma_semaphore, #tpu.memory_space<semaphore_mem>>) src(%dma_wait3A_394 : memref<256x256xf32, #tpu.memory_space<hbm>>) dst(%arg4 : memref<256x256xf32, #tpu.memory_space<vmem>>)
      tpu.yield
    }) : () -> ()
    %broadcast_in_dim3A_193 = arith.constant 0xFF800000 : f32
    %broadcast_in_dim3A_194 = vector.broadcast %broadcast_in_dim3A_193 : f32 to vector<16xf32>
    %broadcast_in_dim3A_195 = arith.constant 0xFF800000 : f32
    %broadcast_in_dim3A_196 = vector.broadcast %broadcast_in_dim3A_195 : f32 to vector<16xf32>
    %broadcast_in_dim3A_197 = arith.constant 0xFF800000 : f32
    %broadcast_in_dim3A_198 = vector.broadcast %broadcast_in_dim3A_197 : f32 to vector<16xf32>
    %broadcast_in_dim3A_199 = arith.constant 0xFF800000 : f32
    %broadcast_in_dim3A_200 = vector.broadcast %broadcast_in_dim3A_199 : f32 to vector<16xf32>
    %broadcast_in_dim3A_201 = arith.constant 0xFF800000 : f32
    %broadcast_in_dim3A_202 = vector.broadcast %broadcast_in_dim3A_201 : f32 to vector<16xf32>
    %broadcast_in_dim3A_203 = arith.constant 0xFF800000 : f32
    %broadcast_in_dim3A_204 = vector.broadcast %broadcast_in_dim3A_203 : f32 to vector<16xf32>
    %broadcast_in_dim3A_205 = arith.constant 0xFF800000 : f32
    %broadcast_in_dim3A_206 = vector.broadcast %broadcast_in_dim3A_205 : f32 to vector<16xf32>
    %broadcast_in_dim3A_207 = arith.constant 0xFF800000 : f32
    %broadcast_in_dim3A_208 = vector.broadcast %broadcast_in_dim3A_207 : f32 to vector<16xf32>
    %broadcast_in_dim3A_209 = arith.constant 0xFF800000 : f32
    %broadcast_in_dim3A_210 = vector.broadcast %broadcast_in_dim3A_209 : f32 to vector<16xf32>
    %broadcast_in_dim3A_211 = arith.constant 0xFF800000 : f32
    %broadcast_in_dim3A_212 = vector.broadcast %broadcast_in_dim3A_211 : f32 to vector<16xf32>
    %broadcast_in_dim3A_213 = arith.constant 0xFF800000 : f32
    %broadcast_in_dim3A_214 = vector.broadcast %broadcast_in_dim3A_213 : f32 to vector<16xf32>
    %broadcast_in_dim3A_215 = arith.constant 0xFF800000 : f32
    %broadcast_in_dim3A_216 = vector.broadcast %broadcast_in_dim3A_215 : f32 to vector<16xf32>
    %broadcast_in_dim3A_217 = arith.constant 0xFF800000 : f32
    %broadcast_in_dim3A_218 = vector.broadcast %broadcast_in_dim3A_217 : f32 to vector<16xf32>
    %broadcast_in_dim3A_219 = arith.constant 0xFF800000 : f32
    %broadcast_in_dim3A_220 = vector.broadcast %broadcast_in_dim3A_219 : f32 to vector<16xf32>
    %broadcast_in_dim3A_221 = arith.constant 0xFF800000 : f32
    %broadcast_in_dim3A_222 = vector.broadcast %broadcast_in_dim3A_221 : f32 to vector<16xf32>
    %broadcast_in_dim3A_223 = arith.constant 0xFF800000 : f32
    %broadcast_in_dim3A_224 = vector.broadcast %broadcast_in_dim3A_223 : f32 to vector<16xf32>
    %scan3A_225 = arith.constant 0 : i32
    %scan3A_226 = arith.constant 256 : i32
    %scan3A_227 = arith.addi %scan3A_225, %scan3A_226 : i32
    %scan3A_228 = arith.constant 1 : i32
    %scan3A_229:16 = scf.for %scan3A_381 = %scan3A_225 to %scan3A_227 step %scan3A_228 iter_args(%scan3A_382 = %broadcast_in_dim3A_194, %scan3A_383 = %broadcast_in_dim3A_196, %scan3A_384 = %broadcast_in_dim3A_198, %scan3A_385 = %broadcast_in_dim3A_200, %scan3A_386 = %broadcast_in_dim3A_202, %scan3A_387 = %broadcast_in_dim3A_204, %scan3A_388 = %broadcast_in_dim3A_206, %scan3A_389 = %broadcast_in_dim3A_208, %scan3A_390 = %broadcast_in_dim3A_210, %scan3A_391 = %broadcast_in_dim3A_212, %scan3A_392 = %broadcast_in_dim3A_214, %scan3A_393 = %broadcast_in_dim3A_216, %scan3A_394 = %broadcast_in_dim3A_218, %scan3A_395 = %broadcast_in_dim3A_220, %scan3A_396 = %broadcast_in_dim3A_222, %scan3A_397 = %broadcast_in_dim3A_224) -> (vector<16xf32>, vector<16xf32>, vector<16xf32>, vector<16xf32>, vector<16xf32>, vector<16xf32>, vector<16xf32>, vector<16xf32>, vector<16xf32>, vector<16xf32>, vector<16xf32>, vector<16xf32>, vector<16xf32>, vector<16xf32>, vector<16xf32>, vector<16xf32>)  : i32 {
      %get3A = arith.index_cast %scan3A_381 : i32 to index
      %get3A_398 = arith.constant 0 : index
      %get3A_399 = tpu.vector_load %arg4[%get3A, %get3A_398] {strides = array<i32>} : memref<256x256xf32, #tpu.memory_space<vmem>>, vector<1x16xf32>,
      %get3A_400 = vector.shape_cast %get3A_399 : vector<1x16xf32> to vector<16xf32>
      %max3A = arith.maximumf %scan3A_382, %get3A_400 : vector<16xf32>
      %get3A_401 = arith.index_cast %scan3A_381 : i32 to index
      %get3A_402 = arith.constant 16 : index
      %get3A_403 = tpu.vector_load %arg4[%get3A_401, %get3A_402] {strides = array<i32>} : memref<256x256xf32, #tpu.memory_space<vmem>>, vector<1x16xf32>,
      %get3A_404 = vector.shape_cast %get3A_403 : vector<1x16xf32> to vector<16xf32>
      %max3A_405 = arith.maximumf %scan3A_383, %get3A_404 : vector<16xf32>
      %get3A_406 = arith.index_cast %scan3A_381 : i32 to index
      %get3A_407 = arith.constant 32 : index
      %get3A_408 = tpu.vector_load %arg4[%get3A_406, %get3A_407] {strides = array<i32>} : memref<256x256xf32, #tpu.memory_space<vmem>>, vector<1x16xf32>,
      %get3A_409 = vector.shape_cast %get3A_408 : vector<1x16xf32> to vector<16xf32>
      %max3A_410 = arith.maximumf %scan3A_384, %get3A_409 : vector<16xf32>
      %get3A_411 = arith.index_cast %scan3A_381 : i32 to index
      %get3A_412 = arith.constant 48 : index
      %get3A_413 = tpu.vector_load %arg4[%get3A_411, %get3A_412] {strides = array<i32>} : memref<256x256xf32, #tpu.memory_space<vmem>>, vector<1x16xf32>,
      %get3A_414 = vector.shape_cast %get3A_413 : vector<1x16xf32> to vector<16xf32>
      %max3A_415 = arith.maximumf %scan3A_385, %get3A_414 : vector<16xf32>
      %get3A_416 = arith.index_cast %scan3A_381 : i32 to index
      %get3A_417 = arith.constant 64 : index
      %get3A_418 = tpu.vector_load %arg4[%get3A_416, %get3A_417] {strides = array<i32>} : memref<256x256xf32, #tpu.memory_space<vmem>>, vector<1x16xf32>,
      %get3A_419 = vector.shape_cast %get3A_418 : vector<1x16xf32> to vector<16xf32>
      %max3A_420 = arith.maximumf %scan3A_386, %get3A_419 : vector<16xf32>
      %get3A_421 = arith.index_cast %scan3A_381 : i32 to index
      %get3A_422 = arith.constant 80 : index
      %get3A_423 = tpu.vector_load %arg4[%get3A_421, %get3A_422] {strides = array<i32>} : memref<256x256xf32, #tpu.memory_space<vmem>>, vector<1x16xf32>,
      %get3A_424 = vector.shape_cast %get3A_423 : vector<1x16xf32> to vector<16xf32>
      %max3A_425 = arith.maximumf %scan3A_387, %get3A_424 : vector<16xf32>
      %get3A_426 = arith.index_cast %scan3A_381 : i32 to index
      %get3A_427 = arith.constant 96 : index
      %get3A_428 = tpu.vector_load %arg4[%get3A_426, %get3A_427] {strides = array<i32>} : memref<256x256xf32, #tpu.memory_space<vmem>>, vector<1x16xf32>,
      %get3A_429 = vector.shape_cast %get3A_428 : vector<1x16xf32> to vector<16xf32>
      %max3A_430 = arith.maximumf %scan3A_388, %get3A_429 : vector<16xf32>
      %get3A_431 = arith.index_cast %scan3A_381 : i32 to index
      %get3A_432 = arith.constant 112 : index
      %get3A_433 = tpu.vector_load %arg4[%get3A_431, %get3A_432] {strides = array<i32>} : memref<256x256xf32, #tpu.memory_space<vmem>>, vector<1x16xf32>,
      %get3A_434 = vector.shape_cast %get3A_433 : vector<1x16xf32> to vector<16xf32>
      %max3A_435 = arith.maximumf %scan3A_389, %get3A_434 : vector<16xf32>
      %get3A_436 = arith.index_cast %scan3A_381 : i32 to index
      %get3A_437 = arith.constant 128 : index
      %get3A_438 = tpu.vector_load %arg4[%get3A_436, %get3A_437] {strides = array<i32>} : memref<256x256xf32, #tpu.memory_space<vmem>>, vector<1x16xf32>,
      %get3A_439 = vector.shape_cast %get3A_438 : vector<1x16xf32> to vector<16xf32>
      %max3A_440 = arith.maximumf %scan3A_390, %get3A_439 : vector<16xf32>
      %get3A_441 = arith.index_cast %scan3A_381 : i32 to index
      %get3A_442 = arith.constant 144 : index
      %get3A_443 = tpu.vector_load %arg4[%get3A_441, %get3A_442] {strides = array<i32>} : memref<256x256xf32, #tpu.memory_space<vmem>>, vector<1x16xf32>,
      %get3A_444 = vector.shape_cast %get3A_443 : vector<1x16xf32> to vector<16xf32>
      %max3A_445 = arith.maximumf %scan3A_391, %get3A_444 : vector<16xf32>
      %get3A_446 = arith.index_cast %scan3A_381 : i32 to index
      %get3A_447 = arith.constant 160 : index
      %get3A_448 = tpu.vector_load %arg4[%get3A_446, %get3A_447] {strides = array<i32>} : memref<256x256xf32, #tpu.memory_space<vmem>>, vector<1x16xf32>,
      %get3A_449 = vector.shape_cast %get3A_448 : vector<1x16xf32> to vector<16xf32>
      %max3A_450 = arith.maximumf %scan3A_392, %get3A_449 : vector<16xf32>
      %get3A_451 = arith.index_cast %scan3A_381 : i32 to index
      %get3A_452 = arith.constant 176 : index
      %get3A_453 = tpu.vector_load %arg4[%get3A_451, %get3A_452] {strides = array<i32>} : memref<256x256xf32, #tpu.memory_space<vmem>>, vector<1x16xf32>,
      %get3A_454 = vector.shape_cast %get3A_453 : vector<1x16xf32> to vector<16xf32>
      %max3A_455 = arith.maximumf %scan3A_393, %get3A_454 : vector<16xf32>
      %get3A_456 = arith.index_cast %scan3A_381 : i32 to index
      %get3A_457 = arith.constant 192 : index
      %get3A_458 = tpu.vector_load %arg4[%get3A_456, %get3A_457] {strides = array<i32>} : memref<256x256xf32, #tpu.memory_space<vmem>>, vector<1x16xf32>,
      %get3A_459 = vector.shape_cast %get3A_458 : vector<1x16xf32> to vector<16xf32>
      %max3A_460 = arith.maximumf %scan3A_394, %get3A_459 : vector<16xf32>
      %get3A_461 = arith.index_cast %scan3A_381 : i32 to index
      %get3A_462 = arith.constant 208 : index
      %get3A_463 = tpu.vector_load %arg4[%get3A_461, %get3A_462] {strides = array<i32>} : memref<256x256xf32, #tpu.memory_space<vmem>>, vector<1x16xf32>,
      %get3A_464 = vector.shape_cast %get3A_463 : vector<1x16xf32> to vector<16xf32>
      %max3A_465 = arith.maximumf %scan3A_395, %get3A_464 : vector<16xf32>
      %get3A_466 = arith.index_cast %scan3A_381 : i32 to index
      %get3A_467 = arith.constant 224 : index
      %get3A_468 = tpu.vector_load %arg4[%get3A_466, %get3A_467] {strides = array<i32>} : memref<256x256xf32, #tpu.memory_space<vmem>>, vector<1x16xf32>,
      %get3A_469 = vector.shape_cast %get3A_468 : vector<1x16xf32> to vector<16xf32>
      %max3A_470 = arith.maximumf %scan3A_396, %get3A_469 : vector<16xf32>
      %get3A_471 = arith.index_cast %scan3A_381 : i32 to index
      %get3A_472 = arith.constant 240 : index
      %get3A_473 = tpu.vector_load %arg4[%get3A_471, %get3A_472] {strides = array<i32>} : memref<256x256xf32, #tpu.memory_space<vmem>>, vector<1x16xf32>,
      %get3A_474 = vector.shape_cast %get3A_473 : vector<1x16xf32> to vector<16xf32>
      %max3A_475 = arith.maximumf %scan3A_397, %get3A_474 : vector<16xf32>
      scf.yield %max3A, %max3A_405, %max3A_410, %max3A_415, %max3A_420, %max3A_425, %max3A_430, %max3A_435, %max3A_440, %max3A_445, %max3A_450, %max3A_455, %max3A_460, %max3A_465, %max3A_470, %max3A_475 : vector<16xf32>, vector<16xf32>, vector<16xf32>, vector<16xf32>, vector<16xf32>, vector<16xf32>, vector<16xf32>, vector<16xf32>, vector<16xf32>, vector<16xf32>, vector<16xf32>, vector<16xf32>, vector<16xf32>, vector<16xf32>, vector<16xf32>, vector<16xf32>
    }
    %scan3A_230 = arith.constant 256 : i32
    %broadcast_in_dim3A_231 = arith.constant 0.000000e+00 : f32
    %broadcast_in_dim3A_232 = vector.broadcast %broadcast_in_dim3A_231 : f32 to vector<16xf32>
    %broadcast_in_dim3A_233 = arith.constant 0.000000e+00 : f32
    %broadcast_in_dim3A_234 = vector.broadcast %broadcast_in_dim3A_233 : f32 to vector<16xf32>
    %broadcast_in_dim3A_235 = arith.constant 0.000000e+00 : f32
    %broadcast_in_dim3A_236 = vector.broadcast %broadcast_in_dim3A_235 : f32 to vector<16xf32>
    %broadcast_in_dim3A_237 = arith.constant 0.000000e+00 : f32
    %broadcast_in_dim3A_238 = vector.broadcast %broadcast_in_dim3A_237 : f32 to vector<16xf32>
    %broadcast_in_dim3A_239 = arith.constant 0.000000e+00 : f32
    %broadcast_in_dim3A_240 = vector.broadcast %broadcast_in_dim3A_239 : f32 to vector<16xf32>
    %broadcast_in_dim3A_241 = arith.constant 0.000000e+00 : f32
    %broadcast_in_dim3A_242 = vector.broadcast %broadcast_in_dim3A_241 : f32 to vector<16xf32>
    %broadcast_in_dim3A_243 = arith.constant 0.000000e+00 : f32
    %broadcast_in_dim3A_244 = vector.broadcast %broadcast_in_dim3A_243 : f32 to vector<16xf32>
    %broadcast_in_dim3A_245 = arith.constant 0.000000e+00 : f32
    %broadcast_in_dim3A_246 = vector.broadcast %broadcast_in_dim3A_245 : f32 to vector<16xf32>
    %broadcast_in_dim3A_247 = arith.constant 0.000000e+00 : f32
    %broadcast_in_dim3A_248 = vector.broadcast %broadcast_in_dim3A_247 : f32 to vector<16xf32>
    %broadcast_in_dim3A_249 = arith.constant 0.000000e+00 : f32
    %broadcast_in_dim3A_250 = vector.broadcast %broadcast_in_dim3A_249 : f32 to vector<16xf32>
    %broadcast_in_dim3A_251 = arith.constant 0.000000e+00 : f32
    %broadcast_in_dim3A_252 = vector.broadcast %broadcast_in_dim3A_251 : f32 to vector<16xf32>
    %broadcast_in_dim3A_253 = arith.constant 0.000000e+00 : f32
    %broadcast_in_dim3A_254 = vector.broadcast %broadcast_in_dim3A_253 : f32 to vector<16xf32>
    %broadcast_in_dim3A_255 = arith.constant 0.000000e+00 : f32
    %broadcast_in_dim3A_256 = vector.broadcast %broadcast_in_dim3A_255 : f32 to vector<16xf32>
    %broadcast_in_dim3A_257 = arith.constant 0.000000e+00 : f32
    %broadcast_in_dim3A_258 = vector.broadcast %broadcast_in_dim3A_257 : f32 to vector<16xf32>
    %broadcast_in_dim3A_259 = arith.constant 0.000000e+00 : f32
    %broadcast_in_dim3A_260 = vector.broadcast %broadcast_in_dim3A_259 : f32 to vector<16xf32>
    %broadcast_in_dim3A_261 = arith.constant 0.000000e+00 : f32
    %broadcast_in_dim3A_262 = vector.broadcast %broadcast_in_dim3A_261 : f32 to vector<16xf32>
    %scan3A_263 = arith.constant 0 : i32
    %scan3A_264 = arith.constant 256 : i32
    %scan3A_265 = arith.addi %scan3A_263, %scan3A_264 : i32
    %scan3A_266 = arith.constant 1 : i32
    %scan3A_267:16 = scf.for %scan3A_381 = %scan3A_263 to %scan3A_265 step %scan3A_266 iter_args(%scan3A_382 = %broadcast_in_dim3A_232, %scan3A_383 = %broadcast_in_dim3A_234, %scan3A_384 = %broadcast_in_dim3A_236, %scan3A_385 = %broadcast_in_dim3A_238, %scan3A_386 = %broadcast_in_dim3A_240, %scan3A_387 = %broadcast_in_dim3A_242, %scan3A_388 = %broadcast_in_dim3A_244, %scan3A_389 = %broadcast_in_dim3A_246, %scan3A_390 = %broadcast_in_dim3A_248, %scan3A_391 = %broadcast_in_dim3A_250, %scan3A_392 = %broadcast_in_dim3A_252, %scan3A_393 = %broadcast_in_dim3A_254, %scan3A_394 = %broadcast_in_dim3A_256, %scan3A_395 = %broadcast_in_dim3A_258, %scan3A_396 = %broadcast_in_dim3A_260, %scan3A_397 = %broadcast_in_dim3A_262) -> (vector<16xf32>, vector<16xf32>, vector<16xf32>, vector<16xf32>, vector<16xf32>, vector<16xf32>, vector<16xf32>, vector<16xf32>, vector<16xf32>, vector<16xf32>, vector<16xf32>, vector<16xf32>, vector<16xf32>, vector<16xf32>, vector<16xf32>, vector<16xf32>)  : i32 {
      %get3A = arith.index_cast %scan3A_381 : i32 to index
      %get3A_398 = arith.constant 0 : index
      %get3A_399 = tpu.vector_load %arg4[%get3A, %get3A_398] {strides = array<i32>} : memref<256x256xf32, #tpu.memory_space<vmem>>, vector<1x16xf32>,
      %get3A_400 = vector.shape_cast %get3A_399 : vector<1x16xf32> to vector<16xf32>
      %sub3A = arith.subf %get3A_400, %scan3A_229#0 : vector<16xf32>
      %exp3A = math.exp %sub3A : vector<16xf32>
      %add3A_401 = arith.addf %scan3A_382, %exp3A : vector<16xf32>
      %get3A_402 = arith.index_cast %scan3A_381 : i32 to index
      %get3A_403 = arith.constant 16 : index
      %get3A_404 = tpu.vector_load %arg4[%get3A_402, %get3A_403] {strides = array<i32>} : memref<256x256xf32, #tpu.memory_space<vmem>>, vector<1x16xf32>,
      %get3A_405 = vector.shape_cast %get3A_404 : vector<1x16xf32> to vector<16xf32>
      %sub3A_406 = arith.subf %get3A_405, %scan3A_229#1 : vector<16xf32>
      %exp3A_407 = math.exp %sub3A_406 : vector<16xf32>
      %add3A_408 = arith.addf %scan3A_383, %exp3A_407 : vector<16xf32>
      %get3A_409 = arith.index_cast %scan3A_381 : i32 to index
      %get3A_410 = arith.constant 32 : index
      %get3A_411 = tpu.vector_load %arg4[%get3A_409, %get3A_410] {strides = array<i32>} : memref<256x256xf32, #tpu.memory_space<vmem>>, vector<1x16xf32>,
      %get3A_412 = vector.shape_cast %get3A_411 : vector<1x16xf32> to vector<16xf32>
      %sub3A_413 = arith.subf %get3A_412, %scan3A_229#2 : vector<16xf32>
      %exp3A_414 = math.exp %sub3A_413 : vector<16xf32>
      %add3A_415 = arith.addf %scan3A_384, %exp3A_414 : vector<16xf32>
      %get3A_416 = arith.index_cast %scan3A_381 : i32 to index
      %get3A_417 = arith.constant 48 : index
      %get3A_418 = tpu.vector_load %arg4[%get3A_416, %get3A_417] {strides = array<i32>} : memref<256x256xf32, #tpu.memory_space<vmem>>, vector<1x16xf32>,
      %get3A_419 = vector.shape_cast %get3A_418 : vector<1x16xf32> to vector<16xf32>
      %sub3A_420 = arith.subf %get3A_419, %scan3A_229#3 : vector<16xf32>
      %exp3A_421 = math.exp %sub3A_420 : vector<16xf32>
      %add3A_422 = arith.addf %scan3A_385, %exp3A_421 : vector<16xf32>
      %get3A_423 = arith.index_cast %scan3A_381 : i32 to index
      %get3A_424 = arith.constant 64 : index
      %get3A_425 = tpu.vector_load %arg4[%get3A_423, %get3A_424] {strides = array<i32>} : memref<256x256xf32, #tpu.memory_space<vmem>>, vector<1x16xf32>,
      %get3A_426 = vector.shape_cast %get3A_425 : vector<1x16xf32> to vector<16xf32>
      %sub3A_427 = arith.subf %get3A_426, %scan3A_229#4 : vector<16xf32>
      %exp3A_428 = math.exp %sub3A_427 : vector<16xf32>
      %add3A_429 = arith.addf %scan3A_386, %exp3A_428 : vector<16xf32>
      %get3A_430 = arith.index_cast %scan3A_381 : i32 to index
      %get3A_431 = arith.constant 80 : index
      %get3A_432 = tpu.vector_load %arg4[%get3A_430, %get3A_431] {strides = array<i32>} : memref<256x256xf32, #tpu.memory_space<vmem>>, vector<1x16xf32>,
      %get3A_433 = vector.shape_cast %get3A_432 : vector<1x16xf32> to vector<16xf32>
      %sub3A_434 = arith.subf %get3A_433, %scan3A_229#5 : vector<16xf32>
      %exp3A_435 = math.exp %sub3A_434 : vector<16xf32>
      %add3A_436 = arith.addf %scan3A_387, %exp3A_435 : vector<16xf32>
      %get3A_437 = arith.index_cast %scan3A_381 : i32 to index
      %get3A_438 = arith.constant 96 : index
      %get3A_439 = tpu.vector_load %arg4[%get3A_437, %get3A_438] {strides = array<i32>} : memref<256x256xf32, #tpu.memory_space<vmem>>, vector<1x16xf32>,
      %get3A_440 = vector.shape_cast %get3A_439 : vector<1x16xf32> to vector<16xf32>
      %sub3A_441 = arith.subf %get3A_440, %scan3A_229#6 : vector<16xf32>
      %exp3A_442 = math.exp %sub3A_441 : vector<16xf32>
      %add3A_443 = arith.addf %scan3A_388, %exp3A_442 : vector<16xf32>
      %get3A_444 = arith.index_cast %scan3A_381 : i32 to index
      %get3A_445 = arith.constant 112 : index
      %get3A_446 = tpu.vector_load %arg4[%get3A_444, %get3A_445] {strides = array<i32>} : memref<256x256xf32, #tpu.memory_space<vmem>>, vector<1x16xf32>,
      %get3A_447 = vector.shape_cast %get3A_446 : vector<1x16xf32> to vector<16xf32>
      %sub3A_448 = arith.subf %get3A_447, %scan3A_229#7 : vector<16xf32>
      %exp3A_449 = math.exp %sub3A_448 : vector<16xf32>
      %add3A_450 = arith.addf %scan3A_389, %exp3A_449 : vector<16xf32>
      %get3A_451 = arith.index_cast %scan3A_381 : i32 to index
      %get3A_452 = arith.constant 128 : index
      %get3A_453 = tpu.vector_load %arg4[%get3A_451, %get3A_452] {strides = array<i32>} : memref<256x256xf32, #tpu.memory_space<vmem>>, vector<1x16xf32>,
      %get3A_454 = vector.shape_cast %get3A_453 : vector<1x16xf32> to vector<16xf32>
      %sub3A_455 = arith.subf %get3A_454, %scan3A_229#8 : vector<16xf32>
      %exp3A_456 = math.exp %sub3A_455 : vector<16xf32>
      %add3A_457 = arith.addf %scan3A_390, %exp3A_456 : vector<16xf32>
      %get3A_458 = arith.index_cast %scan3A_381 : i32 to index
      %get3A_459 = arith.constant 144 : index
      %get3A_460 = tpu.vector_load %arg4[%get3A_458, %get3A_459] {strides = array<i32>} : memref<256x256xf32, #tpu.memory_space<vmem>>, vector<1x16xf32>,
      %get3A_461 = vector.shape_cast %get3A_460 : vector<1x16xf32> to vector<16xf32>
      %sub3A_462 = arith.subf %get3A_461, %scan3A_229#9 : vector<16xf32>
      %exp3A_463 = math.exp %sub3A_462 : vector<16xf32>
      %add3A_464 = arith.addf %scan3A_391, %exp3A_463 : vector<16xf32>
      %get3A_465 = arith.index_cast %scan3A_381 : i32 to index
      %get3A_466 = arith.constant 160 : index
      %get3A_467 = tpu.vector_load %arg4[%get3A_465, %get3A_466] {strides = array<i32>} : memref<256x256xf32, #tpu.memory_space<vmem>>, vector<1x16xf32>,
      %get3A_468 = vector.shape_cast %get3A_467 : vector<1x16xf32> to vector<16xf32>
      %sub3A_469 = arith.subf %get3A_468, %scan3A_229#10 : vector<16xf32>
      %exp3A_470 = math.exp %sub3A_469 : vector<16xf32>
      %add3A_471 = arith.addf %scan3A_392, %exp3A_470 : vector<16xf32>
      %get3A_472 = arith.index_cast %scan3A_381 : i32 to index
      %get3A_473 = arith.constant 176 : index
      %get3A_474 = tpu.vector_load %arg4[%get3A_472, %get3A_473] {strides = array<i32>} : memref<256x256xf32, #tpu.memory_space<vmem>>, vector<1x16xf32>,
      %get3A_475 = vector.shape_cast %get3A_474 : vector<1x16xf32> to vector<16xf32>
      %sub3A_476 = arith.subf %get3A_475, %scan3A_229#11 : vector<16xf32>
      %exp3A_477 = math.exp %sub3A_476 : vector<16xf32>
      %add3A_478 = arith.addf %scan3A_393, %exp3A_477 : vector<16xf32>
      %get3A_479 = arith.index_cast %scan3A_381 : i32 to index
      %get3A_480 = arith.constant 192 : index
      %get3A_481 = tpu.vector_load %arg4[%get3A_479, %get3A_480] {strides = array<i32>} : memref<256x256xf32, #tpu.memory_space<vmem>>, vector<1x16xf32>,
      %get3A_482 = vector.shape_cast %get3A_481 : vector<1x16xf32> to vector<16xf32>
      %sub3A_483 = arith.subf %get3A_482, %scan3A_229#12 : vector<16xf32>
      %exp3A_484 = math.exp %sub3A_483 : vector<16xf32>
      %add3A_485 = arith.addf %scan3A_394, %exp3A_484 : vector<16xf32>
      %get3A_486 = arith.index_cast %scan3A_381 : i32 to index
      %get3A_487 = arith.constant 208 : index
      %get3A_488 = tpu.vector_load %arg4[%get3A_486, %get3A_487] {strides = array<i32>} : memref<256x256xf32, #tpu.memory_space<vmem>>, vector<1x16xf32>,
      %get3A_489 = vector.shape_cast %get3A_488 : vector<1x16xf32> to vector<16xf32>
      %sub3A_490 = arith.subf %get3A_489, %scan3A_229#13 : vector<16xf32>
      %exp3A_491 = math.exp %sub3A_490 : vector<16xf32>
      %add3A_492 = arith.addf %scan3A_395, %exp3A_491 : vector<16xf32>
      %get3A_493 = arith.index_cast %scan3A_381 : i32 to index
      %get3A_494 = arith.constant 224 : index
      %get3A_495 = tpu.vector_load %arg4[%get3A_493, %get3A_494] {strides = array<i32>} : memref<256x256xf32, #tpu.memory_space<vmem>>, vector<1x16xf32>,
      %get3A_496 = vector.shape_cast %get3A_495 : vector<1x16xf32> to vector<16xf32>
      %sub3A_497 = arith.subf %get3A_496, %scan3A_229#14 : vector<16xf32>
      %exp3A_498 = math.exp %sub3A_497 : vector<16xf32>
      %add3A_499 = arith.addf %scan3A_396, %exp3A_498 : vector<16xf32>
      %get3A_500 = arith.index_cast %scan3A_381 : i32 to index
      %get3A_501 = arith.constant 240 : index
      %get3A_502 = tpu.vector_load %arg4[%get3A_500, %get3A_501] {strides = array<i32>} : memref<256x256xf32, #tpu.memory_space<vmem>>, vector<1x16xf32>,
      %get3A_503 = vector.shape_cast %get3A_502 : vector<1x16xf32> to vector<16xf32>
      %sub3A_504 = arith.subf %get3A_503, %scan3A_229#15 : vector<16xf32>
      %exp3A_505 = math.exp %sub3A_504 : vector<16xf32>
      %add3A_506 = arith.addf %scan3A_397, %exp3A_505 : vector<16xf32>
      scf.yield %add3A_401, %add3A_408, %add3A_415, %add3A_422, %add3A_429, %add3A_436, %add3A_443, %add3A_450, %add3A_457, %add3A_464, %add3A_471, %add3A_478, %add3A_485, %add3A_492, %add3A_499, %add3A_506 : vector<16xf32>, vector<16xf32>, vector<16xf32>, vector<16xf32>, vector<16xf32>, vector<16xf32>, vector<16xf32>, vector<16xf32>, vector<16xf32>, vector<16xf32>, vector<16xf32>, vector<16xf32>, vector<16xf32>, vector<16xf32>, vector<16xf32>, vector<16xf32>
    }
    %scan3A_268 = arith.constant 256 : i32
    %div3A_269 = arith.constant 1.000000e+00 : f32
    %div3A_270 = vector.broadcast %div3A_269 : f32 to vector<16xf32>
    %div3A_271 = arith.divf %div3A_270, %scan3A_267#0 : vector<16xf32>
    %swap3A_272 = arith.constant 0 : index
    %swap3A_273 = tpu.vector_load %arg5[%swap3A_272] {strides = array<i32>} : memref<256xf32, #tpu.memory_space<vmem>>, vector<16xf32>,
    %swap3A_274 = vector.shape_cast %swap3A_273 : vector<16xf32> to vector<16xf32>
    %swap3A_275 = vector.shape_cast %div3A_271 : vector<16xf32> to vector<16xf32>
    tpu.vector_store %arg5[%swap3A_272], %swap3A_275 {strides = array<i32>} : memref<256xf32, #tpu.memory_space<vmem>>, vector<16xf32>,
    %div3A_276 = arith.constant 1.000000e+00 : f32
    %div3A_277 = vector.broadcast %div3A_276 : f32 to vector<16xf32>
    %div3A_278 = arith.divf %div3A_277, %scan3A_267#1 : vector<16xf32>
    %swap3A_279 = arith.constant 16 : index
    %swap3A_280 = tpu.vector_load %arg5[%swap3A_279] {strides = array<i32>} : memref<256xf32, #tpu.memory_space<vmem>>, vector<16xf32>,
    %swap3A_281 = vector.shape_cast %swap3A_280 : vector<16xf32> to vector<16xf32>
    %swap3A_282 = vector.shape_cast %div3A_278 : vector<16xf32> to vector<16xf32>
    tpu.vector_store %arg5[%swap3A_279], %swap3A_282 {strides = array<i32>} : memref<256xf32, #tpu.memory_space<vmem>>, vector<16xf32>,
    %div3A_283 = arith.constant 1.000000e+00 : f32
    %div3A_284 = vector.broadcast %div3A_283 : f32 to vector<16xf32>
    %div3A_285 = arith.divf %div3A_284, %scan3A_267#2 : vector<16xf32>
    %swap3A_286 = arith.constant 32 : index
    %swap3A_287 = tpu.vector_load %arg5[%swap3A_286] {strides = array<i32>} : memref<256xf32, #tpu.memory_space<vmem>>, vector<16xf32>,
    %swap3A_288 = vector.shape_cast %swap3A_287 : vector<16xf32> to vector<16xf32>
    %swap3A_289 = vector.shape_cast %div3A_285 : vector<16xf32> to vector<16xf32>
    tpu.vector_store %arg5[%swap3A_286], %swap3A_289 {strides = array<i32>} : memref<256xf32, #tpu.memory_space<vmem>>, vector<16xf32>,
    %div3A_290 = arith.constant 1.000000e+00 : f32
    %div3A_291 = vector.broadcast %div3A_290 : f32 to vector<16xf32>
    %div3A_292 = arith.divf %div3A_291, %scan3A_267#3 : vector<16xf32>
    %swap3A_293 = arith.constant 48 : index
    %swap3A_294 = tpu.vector_load %arg5[%swap3A_293] {strides = array<i32>} : memref<256xf32, #tpu.memory_space<vmem>>, vector<16xf32>,
    %swap3A_295 = vector.shape_cast %swap3A_294 : vector<16xf32> to vector<16xf32>
    %swap3A_296 = vector.shape_cast %div3A_292 : vector<16xf32> to vector<16xf32>
    tpu.vector_store %arg5[%swap3A_293], %swap3A_296 {strides = array<i32>} : memref<256xf32, #tpu.memory_space<vmem>>, vector<16xf32>,
    %div3A_297 = arith.constant 1.000000e+00 : f32
    %div3A_298 = vector.broadcast %div3A_297 : f32 to vector<16xf32>
    %div3A_299 = arith.divf %div3A_298, %scan3A_267#4 : vector<16xf32>
    %swap3A_300 = arith.constant 64 : index
    %swap3A_301 = tpu.vector_load %arg5[%swap3A_300] {strides = array<i32>} : memref<256xf32, #tpu.memory_space<vmem>>, vector<16xf32>,
    %swap3A_302 = vector.shape_cast %swap3A_301 : vector<16xf32> to vector<16xf32>
    %swap3A_303 = vector.shape_cast %div3A_299 : vector<16xf32> to vector<16xf32>
    tpu.vector_store %arg5[%swap3A_300], %swap3A_303 {strides = array<i32>} : memref<256xf32, #tpu.memory_space<vmem>>, vector<16xf32>,
    %div3A_304 = arith.constant 1.000000e+00 : f32
    %div3A_305 = vector.broadcast %div3A_304 : f32 to vector<16xf32>
    %div3A_306 = arith.divf %div3A_305, %scan3A_267#5 : vector<16xf32>
    %swap3A_307 = arith.constant 80 : index
    %swap3A_308 = tpu.vector_load %arg5[%swap3A_307] {strides = array<i32>} : memref<256xf32, #tpu.memory_space<vmem>>, vector<16xf32>,
    %swap3A_309 = vector.shape_cast %swap3A_308 : vector<16xf32> to vector<16xf32>
    %swap3A_310 = vector.shape_cast %div3A_306 : vector<16xf32> to vector<16xf32>
    tpu.vector_store %arg5[%swap3A_307], %swap3A_310 {strides = array<i32>} : memref<256xf32, #tpu.memory_space<vmem>>, vector<16xf32>,
    %div3A_311 = arith.constant 1.000000e+00 : f32
    %div3A_312 = vector.broadcast %div3A_311 : f32 to vector<16xf32>
    %div3A_313 = arith.divf %div3A_312, %scan3A_267#6 : vector<16xf32>
    %swap3A_314 = arith.constant 96 : index
    %swap3A_315 = tpu.vector_load %arg5[%swap3A_314] {strides = array<i32>} : memref<256xf32, #tpu.memory_space<vmem>>, vector<16xf32>,
    %swap3A_316 = vector.shape_cast %swap3A_315 : vector<16xf32> to vector<16xf32>
    %swap3A_317 = vector.shape_cast %div3A_313 : vector<16xf32> to vector<16xf32>
    tpu.vector_store %arg5[%swap3A_314], %swap3A_317 {strides = array<i32>} : memref<256xf32, #tpu.memory_space<vmem>>, vector<16xf32>,
    %div3A_318 = arith.constant 1.000000e+00 : f32
    %div3A_319 = vector.broadcast %div3A_318 : f32 to vector<16xf32>
    %div3A_320 = arith.divf %div3A_319, %scan3A_267#7 : vector<16xf32>
    %swap3A_321 = arith.constant 112 : index
    %swap3A_322 = tpu.vector_load %arg5[%swap3A_321] {strides = array<i32>} : memref<256xf32, #tpu.memory_space<vmem>>, vector<16xf32>,
    %swap3A_323 = vector.shape_cast %swap3A_322 : vector<16xf32> to vector<16xf32>
    %swap3A_324 = vector.shape_cast %div3A_320 : vector<16xf32> to vector<16xf32>
    tpu.vector_store %arg5[%swap3A_321], %swap3A_324 {strides = array<i32>} : memref<256xf32, #tpu.memory_space<vmem>>, vector<16xf32>,
    %div3A_325 = arith.constant 1.000000e+00 : f32
    %div3A_326 = vector.broadcast %div3A_325 : f32 to vector<16xf32>
    %div3A_327 = arith.divf %div3A_326, %scan3A_267#8 : vector<16xf32>
    %swap3A_328 = arith.constant 128 : index
    %swap3A_329 = tpu.vector_load %arg5[%swap3A_328] {strides = array<i32>} : memref<256xf32, #tpu.memory_space<vmem>>, vector<16xf32>,
    %swap3A_330 = vector.shape_cast %swap3A_329 : vector<16xf32> to vector<16xf32>
    %swap3A_331 = vector.shape_cast %div3A_327 : vector<16xf32> to vector<16xf32>
    tpu.vector_store %arg5[%swap3A_328], %swap3A_331 {strides = array<i32>} : memref<256xf32, #tpu.memory_space<vmem>>, vector<16xf32>,
    %div3A_332 = arith.constant 1.000000e+00 : f32
    %div3A_333 = vector.broadcast %div3A_332 : f32 to vector<16xf32>
    %div3A_334 = arith.divf %div3A_333, %scan3A_267#9 : vector<16xf32>
    %swap3A_335 = arith.constant 144 : index
    %swap3A_336 = tpu.vector_load %arg5[%swap3A_335] {strides = array<i32>} : memref<256xf32, #tpu.memory_space<vmem>>, vector<16xf32>,
    %swap3A_337 = vector.shape_cast %swap3A_336 : vector<16xf32> to vector<16xf32>
    %swap3A_338 = vector.shape_cast %div3A_334 : vector<16xf32> to vector<16xf32>
    tpu.vector_store %arg5[%swap3A_335], %swap3A_338 {strides = array<i32>} : memref<256xf32, #tpu.memory_space<vmem>>, vector<16xf32>,
    %div3A_339 = arith.constant 1.000000e+00 : f32
    %div3A_340 = vector.broadcast %div3A_339 : f32 to vector<16xf32>
    %div3A_341 = arith.divf %div3A_340, %scan3A_267#10 : vector<16xf32>
    %swap3A_342 = arith.constant 160 : index
    %swap3A_343 = tpu.vector_load %arg5[%swap3A_342] {strides = array<i32>} : memref<256xf32, #tpu.memory_space<vmem>>, vector<16xf32>,
    %swap3A_344 = vector.shape_cast %swap3A_343 : vector<16xf32> to vector<16xf32>
    %swap3A_345 = vector.shape_cast %div3A_341 : vector<16xf32> to vector<16xf32>
    tpu.vector_store %arg5[%swap3A_342], %swap3A_345 {strides = array<i32>} : memref<256xf32, #tpu.memory_space<vmem>>, vector<16xf32>,
    %div3A_346 = arith.constant 1.000000e+00 : f32
    %div3A_347 = vector.broadcast %div3A_346 : f32 to vector<16xf32>
    %div3A_348 = arith.divf %div3A_347, %scan3A_267#11 : vector<16xf32>
    %swap3A_349 = arith.constant 176 : index
    %swap3A_350 = tpu.vector_load %arg5[%swap3A_349] {strides = array<i32>} : memref<256xf32, #tpu.memory_space<vmem>>, vector<16xf32>,
    %swap3A_351 = vector.shape_cast %swap3A_350 : vector<16xf32> to vector<16xf32>
    %swap3A_352 = vector.shape_cast %div3A_348 : vector<16xf32> to vector<16xf32>
    tpu.vector_store %arg5[%swap3A_349], %swap3A_352 {strides = array<i32>} : memref<256xf32, #tpu.memory_space<vmem>>, vector<16xf32>,
    %div3A_353 = arith.constant 1.000000e+00 : f32
    %div3A_354 = vector.broadcast %div3A_353 : f32 to vector<16xf32>
    %div3A_355 = arith.divf %div3A_354, %scan3A_267#12 : vector<16xf32>
    %swap3A_356 = arith.constant 192 : index
    %swap3A_357 = tpu.vector_load %arg5[%swap3A_356] {strides = array<i32>} : memref<256xf32, #tpu.memory_space<vmem>>, vector<16xf32>,
    %swap3A_358 = vector.shape_cast %swap3A_357 : vector<16xf32> to vector<16xf32>
    %swap3A_359 = vector.shape_cast %div3A_355 : vector<16xf32> to vector<16xf32>
    tpu.vector_store %arg5[%swap3A_356], %swap3A_359 {strides = array<i32>} : memref<256xf32, #tpu.memory_space<vmem>>, vector<16xf32>,
    %div3A_360 = arith.constant 1.000000e+00 : f32
    %div3A_361 = vector.broadcast %div3A_360 : f32 to vector<16xf32>
    %div3A_362 = arith.divf %div3A_361, %scan3A_267#13 : vector<16xf32>
    %swap3A_363 = arith.constant 208 : index
    %swap3A_364 = tpu.vector_load %arg5[%swap3A_363] {strides = array<i32>} : memref<256xf32, #tpu.memory_space<vmem>>, vector<16xf32>,
    %swap3A_365 = vector.shape_cast %swap3A_364 : vector<16xf32> to vector<16xf32>
    %swap3A_366 = vector.shape_cast %div3A_362 : vector<16xf32> to vector<16xf32>
    tpu.vector_store %arg5[%swap3A_363], %swap3A_366 {strides = array<i32>} : memref<256xf32, #tpu.memory_space<vmem>>, vector<16xf32>,
    %div3A_367 = arith.constant 1.000000e+00 : f32
    %div3A_368 = vector.broadcast %div3A_367 : f32 to vector<16xf32>
    %div3A_369 = arith.divf %div3A_368, %scan3A_267#14 : vector<16xf32>
    %swap3A_370 = arith.constant 224 : index
    %swap3A_371 = tpu.vector_load %arg5[%swap3A_370] {strides = array<i32>} : memref<256xf32, #tpu.memory_space<vmem>>, vector<16xf32>,
    %swap3A_372 = vector.shape_cast %swap3A_371 : vector<16xf32> to vector<16xf32>
    %swap3A_373 = vector.shape_cast %div3A_369 : vector<16xf32> to vector<16xf32>
    tpu.vector_store %arg5[%swap3A_370], %swap3A_373 {strides = array<i32>} : memref<256xf32, #tpu.memory_space<vmem>>, vector<16xf32>,
    %div3A_374 = arith.constant 1.000000e+00 : f32
    %div3A_375 = vector.broadcast %div3A_374 : f32 to vector<16xf32>
    %div3A_376 = arith.divf %div3A_375, %scan3A_267#15 : vector<16xf32>
    %swap3A_377 = arith.constant 240 : index
    %swap3A_378 = tpu.vector_load %arg5[%swap3A_377] {strides = array<i32>} : memref<256xf32, #tpu.memory_space<vmem>>, vector<16xf32>,
    %swap3A_379 = vector.shape_cast %swap3A_378 : vector<16xf32> to vector<16xf32>
    %swap3A_380 = vector.shape_cast %div3A_376 : vector<16xf32> to vector<16xf32>
    tpu.vector_store %arg5[%swap3A_377], %swap3A_380 {strides = array<i32>} : memref<256xf32, #tpu.memory_space<vmem>>, vector<16xf32>,
    "tpu.region"() ({
      %run_scoped3A = tpu.sem_alloc : memref<!tpu.dma_semaphore, #tpu.memory_space<semaphore_mem>>
      %dma_start3A = arith.constant 0 : i32
      %dma_start3A_381 = tpu.memref_slice %arg3[%add3A_192, %dma_start3A] : memref<64x256xf32, #tpu.memory_space<hbm>> -> memref<1x256xf32, #tpu.memory_space<hbm>>
      %dma_start3A_382 = tpu.memref_squeeze %dma_start3A_381 : memref<1x256xf32, #tpu.memory_space<hbm>> -> memref<256xf32, #tpu.memory_space<hbm>>
      %dma_start3A_383 = arith.constant 0 : i32
      %dma_start3A_384 = tpu.memref_slice %arg3[%add3A_192, %dma_start3A_383] : memref<64x256xf32, #tpu.memory_space<hbm>> -> memref<1x256xf32, #tpu.memory_space<hbm>>
      %dma_start3A_385 = tpu.memref_squeeze %dma_start3A_384 : memref<1x256xf32, #tpu.memory_space<hbm>> -> memref<256xf32, #tpu.memory_space<hbm>>
      tpu.enqueue_dma source(%arg5 : memref<256xf32, #tpu.memory_space<vmem>>) target(%dma_start3A_385 : memref<256xf32, #tpu.memory_space<hbm>>) target_semaphore(%run_scoped3A : memref<!tpu.dma_semaphore, #tpu.memory_space<semaphore_mem>>)
      %dma_wait3A = arith.constant 0 : i32
      %dma_wait3A_386 = tpu.memref_slice %arg3[%add3A_192, %dma_wait3A] : memref<64x256xf32, #tpu.memory_space<hbm>> -> memref<1x256xf32, #tpu.memory_space<hbm>>
      %dma_wait3A_387 = tpu.memref_squeeze %dma_wait3A_386 : memref<1x256xf32, #tpu.memory_space<hbm>> -> memref<256xf32, #tpu.memory_space<hbm>>
      %dma_wait3A_388 = arith.constant 0 : i32
      %dma_wait3A_389 = tpu.memref_slice %arg3[%add3A_192, %dma_wait3A_388] : memref<64x256xf32, #tpu.memory_space<hbm>> -> memref<1x256xf32, #tpu.memory_space<hbm>>
      %dma_wait3A_390 = tpu.memref_squeeze %dma_wait3A_389 : memref<1x256xf32, #tpu.memory_space<hbm>> -> memref<256xf32, #tpu.memory_space<hbm>>
      tpu.wait_dma2 semaphore(%run_scoped3A : memref<!tpu.dma_semaphore, #tpu.memory_space<semaphore_mem>>) src(%arg5 : memref<256xf32, #tpu.memory_space<vmem>>) dst(%dma_wait3A_390 : memref<256xf32, #tpu.memory_space<hbm>>)
      tpu.yield
    }) : () -> ()
    return
  }
}

module attributes {stable_mosaic.version = 14 : i64} {
  func.func @_tc_body(%arg0: i32, %arg1: memref<8x256x768xf32, #tpu.memory_space<vmem>>, %arg2: memref<8x256x256xf32, #tpu.memory_space<vmem>>, %arg3: memref<8x768x256xf32, #tpu.memory_space<vmem>>, %arg4: memref<8x1x256xf32, #tpu.memory_space<vmem>>) attributes {dimension_semantics = [#tpu.dimension_semantics<arbitrary>], iteration_bounds = array<i64: 16>, scalar_prefetch = 0 : i64, scratch_operands = 0 : i64, tpu.core_type = #tpu.core_type<tc>, window_params = [{transform_indices = @transform_0, window_bounds = array<i64: 8, 256, 768>}, {transform_indices = @transform_1, window_bounds = array<i64: 8, 256, 256>}, {transform_indices = @transform_2, window_bounds = array<i64: 8, 768, 256>}, {transform_indices = @transform_3, window_bounds = array<i64: 8, 1, 256>}]} {
    %iota3A = tpu.iota {dimensions = array<i32: 0>} : vector<256x256xi32>
    %iota3A_0 = tpu.iota {dimensions = array<i32: 1>} : vector<256x256xi32>
    %get3A = arith.constant 0 : index
    %get3A_1 = arith.constant 0 : index
    %get3A_2 = arith.constant 0 : index
    %get3A_3 = vector.load %arg2[%get3A, %get3A_1, %get3A_2] : memref<8x256x256xf32, #tpu.memory_space<vmem>>, vector<1x256x256xf32>
    %get3A_4 = vector.shape_cast %get3A_3 : vector<1x256x256xf32> to vector<256x256xf32>
    %get3A_5 = arith.constant 0 : index
    %get3A_6 = arith.constant 0 : index
    %get3A_7 = arith.constant 0 : index
    %get3A_8 = vector.load %arg1[%get3A_5, %get3A_6, %get3A_7] : memref<8x256x768xf32, #tpu.memory_space<vmem>>, vector<1x256x768xf32>
    %get3A_9 = vector.shape_cast %get3A_8 : vector<1x256x768xf32> to vector<256x768xf32>
    %reduce_max3A = arith.constant dense<0xFF800000> : vector<256xf32>
    %reduce_max3A_10 = vector.multi_reduction <maximumf>, %get3A_4, %reduce_max3A [0] : vector<256x256xf32> to vector<256xf32>
    %broadcast_in_dim3A = vector.shape_cast %reduce_max3A_10 : vector<256xf32> to vector<1x256xf32>
    %sub3A = vector.broadcast %broadcast_in_dim3A : vector<1x256xf32> to vector<256x256xf32>
    %sub3A_11 = arith.subf %get3A_4, %sub3A : vector<256x256xf32>
    %exp3A = math.exp %sub3A_11 : vector<256x256xf32>
    %reduce_sum3A = arith.constant dense<0.000000e+00> : vector<256xf32>
    %reduce_sum3A_12 = vector.multi_reduction <add>, %exp3A, %reduce_sum3A [0] : vector<256x256xf32> to vector<256xf32>
    %div3A = arith.constant 1.000000e+00 : f32
    %div3A_13 = vector.broadcast %div3A : f32 to vector<256xf32>
    %div3A_14 = arith.divf %div3A_13, %reduce_sum3A_12 : vector<256xf32>
    %swap3A = arith.constant 0 : index
    %swap3A_15 = arith.constant 0 : index
    %swap3A_16 = arith.constant 0 : index
    %swap3A_17 = vector.load %arg4[%swap3A, %swap3A_15, %swap3A_16] : memref<8x1x256xf32, #tpu.memory_space<vmem>>, vector<1x1x256xf32>
    %swap3A_18 = vector.shape_cast %swap3A_17 : vector<1x1x256xf32> to vector<256xf32>
    %swap3A_19 = vector.shape_cast %div3A_14 : vector<256xf32> to vector<1x1x256xf32>
    tpu.vector_store %arg4[%swap3A, %swap3A_15, %swap3A_16], %swap3A_19 {strides = array<i32>} : memref<8x1x256xf32, #tpu.memory_space<vmem>>, vector<1x1x256xf32>,
    %broadcast_in_dim3A_20 = vector.shape_cast %reduce_max3A_10 : vector<256xf32> to vector<1x256xf32>
    %eq3A = vector.broadcast %broadcast_in_dim3A_20 : vector<1x256xf32> to vector<256x256xf32>
    %eq3A_21 = arith.cmpf oeq, %get3A_4, %eq3A : vector<256x256xf32>
    %jit3A = arith.constant 256 : i32
    %broadcast_in_dim3A_22 = vector.broadcast %jit3A : i32 to vector<256x256xi32>
    %select_n3A = arith.select %eq3A_21, %iota3A, %broadcast_in_dim3A_22 : vector<256x256xi1>, vector<256x256xi32>
    %reduce_min3A = arith.constant dense<2147483647> : vector<256xi32>
    %reduce_min3A_23 = vector.multi_reduction <minsi>, %select_n3A, %reduce_min3A [0] : vector<256x256xi32> to vector<256xi32>
    %broadcast_in_dim3A_24 = vector.shape_cast %reduce_min3A_23 : vector<256xi32> to vector<1x256xi32>
    %eq3A_25 = vector.broadcast %broadcast_in_dim3A_24 : vector<1x256xi32> to vector<256x256xi32>
    %eq3A_26 = arith.cmpi eq, %iota3A, %eq3A_25 : vector<256x256xi32>
    %jit3A_27 = arith.constant -1 : i32
    %broadcast_in_dim3A_28 = vector.broadcast %jit3A_27 : i32 to vector<256x256xi32>
    %select_n3A_29 = arith.select %eq3A_26, %iota3A_0, %broadcast_in_dim3A_28 : vector<256x256xi1>, vector<256x256xi32>
    %reduce_max3A_30 = arith.constant dense<-2147483648> : vector<256xi32>
    %reduce_max3A_31 = vector.multi_reduction <maxsi>, %select_n3A_29, %reduce_max3A_30 [1] : vector<256x256xi32> to vector<256xi32>
    %broadcast_in_dim3A_32 = vector.shape_cast %reduce_max3A_31 : vector<256xi32> to vector<256x1xi32>
    %eq3A_33 = vector.broadcast %broadcast_in_dim3A_32 : vector<256x1xi32> to vector<256x256xi32>
    %eq3A_34 = arith.cmpi eq, %eq3A_33, %iota3A_0 : vector<256x256xi32>
    %convert_element_type3A = arith.extui %eq3A_34 : vector<256x256xi1> to vector<256x256xi32>
    %convert_element_type3A_35 = arith.sitofp %convert_element_type3A : vector<256x256xi32> to vector<256x256xf32>
    %slice3A = vector.extract_strided_slice %convert_element_type3A_35 {offsets = [0, 0], sizes = [254, 256], strides = [1, 1]} : vector<256x256xf32> to vector<254x256xf32>
    %slice3A_36 = vector.extract_strided_slice %convert_element_type3A_35 {offsets = [1, 0], sizes = [254, 256], strides = [1, 1]} : vector<256x256xf32> to vector<254x256xf32>
    %add3A = arith.addf %slice3A, %slice3A_36 : vector<254x256xf32>
    %slice3A_37 = vector.extract_strided_slice %convert_element_type3A_35 {offsets = [2, 0], sizes = [254, 256], strides = [1, 1]} : vector<256x256xf32> to vector<254x256xf32>
    %add3A_38 = arith.addf %add3A, %slice3A_37 : vector<254x256xf32>
    %mul3A = arith.constant 0.333333343 : f32
    %mul3A_39 = vector.broadcast %mul3A : f32 to vector<254x256xf32>
    %mul3A_40 = arith.mulf %add3A_38, %mul3A_39 : vector<254x256xf32>
    %slice3A_41 = vector.extract_strided_slice %convert_element_type3A_35 {offsets = [0, 0], sizes = [1, 256], strides = [1, 1]} : vector<256x256xf32> to vector<1x256xf32>
    %slice3A_42 = vector.extract_strided_slice %convert_element_type3A_35 {offsets = [255, 0], sizes = [1, 256], strides = [1, 1]} : vector<256x256xf32> to vector<1x256xf32>
    %concatenate3A = tpu.concatenate %slice3A_41, %mul3A_40, %slice3A_42 in 0 : vector<1x256xf32>, vector<254x256xf32>, vector<1x256xf32> -> vector<256x256xf32>
    %convert_element_type3A_43 = arith.truncf %get3A_9 : vector<256x768xf32> to vector<256x768xbf16>
    %convert_element_type3A_44 = arith.truncf %concatenate3A : vector<256x256xf32> to vector<256x256xbf16>
    %dot_general3A = arith.constant dense<0.000000e+00> : vector<768x256xf32>
    %dot_general3A_45 = tpu.matmul %convert_element_type3A_43, %convert_element_type3A_44, %dot_general3A {dimension_numbers = #tpu.dot_dimension_numbers<[0], [1], [1], [0], [0, 1, 1, 0], [], []>, transpose_lhs_hint = false} : vector<256x768xbf16>, vector<256x256xbf16>, vector<768x256xf32> -> vector<768x256xf32>
    %swap3A_46 = arith.constant 0 : index
    %swap3A_47 = arith.constant 0 : index
    %swap3A_48 = arith.constant 0 : index
    %swap3A_49 = vector.load %arg3[%swap3A_46, %swap3A_47, %swap3A_48] : memref<8x768x256xf32, #tpu.memory_space<vmem>>, vector<1x768x256xf32>
    %swap3A_50 = vector.shape_cast %swap3A_49 : vector<1x768x256xf32> to vector<768x256xf32>
    %swap3A_51 = vector.shape_cast %dot_general3A_45 : vector<768x256xf32> to vector<1x768x256xf32>
    tpu.vector_store %arg3[%swap3A_46, %swap3A_47, %swap3A_48], %swap3A_51 {strides = array<i32>} : memref<8x768x256xf32, #tpu.memory_space<vmem>>, vector<1x768x256xf32>,
    %get3A_52 = arith.constant 1 : index
    %get3A_53 = arith.constant 0 : index
    %get3A_54 = arith.constant 0 : index
    %get3A_55 = vector.load %arg2[%get3A_52, %get3A_53, %get3A_54] : memref<8x256x256xf32, #tpu.memory_space<vmem>>, vector<1x256x256xf32>
    %get3A_56 = vector.shape_cast %get3A_55 : vector<1x256x256xf32> to vector<256x256xf32>
    %get3A_57 = arith.constant 1 : index
    %get3A_58 = arith.constant 0 : index
    %get3A_59 = arith.constant 0 : index
    %get3A_60 = vector.load %arg1[%get3A_57, %get3A_58, %get3A_59] : memref<8x256x768xf32, #tpu.memory_space<vmem>>, vector<1x256x768xf32>
    %get3A_61 = vector.shape_cast %get3A_60 : vector<1x256x768xf32> to vector<256x768xf32>
    %reduce_max3A_62 = arith.constant dense<0xFF800000> : vector<256xf32>
    %reduce_max3A_63 = vector.multi_reduction <maximumf>, %get3A_56, %reduce_max3A_62 [0] : vector<256x256xf32> to vector<256xf32>
    %broadcast_in_dim3A_64 = vector.shape_cast %reduce_max3A_63 : vector<256xf32> to vector<1x256xf32>
    %sub3A_65 = vector.broadcast %broadcast_in_dim3A_64 : vector<1x256xf32> to vector<256x256xf32>
    %sub3A_66 = arith.subf %get3A_56, %sub3A_65 : vector<256x256xf32>
    %exp3A_67 = math.exp %sub3A_66 : vector<256x256xf32>
    %reduce_sum3A_68 = arith.constant dense<0.000000e+00> : vector<256xf32>
    %reduce_sum3A_69 = vector.multi_reduction <add>, %exp3A_67, %reduce_sum3A_68 [0] : vector<256x256xf32> to vector<256xf32>
    %div3A_70 = arith.constant 1.000000e+00 : f32
    %div3A_71 = vector.broadcast %div3A_70 : f32 to vector<256xf32>
    %div3A_72 = arith.divf %div3A_71, %reduce_sum3A_69 : vector<256xf32>
    %swap3A_73 = arith.constant 1 : index
    %swap3A_74 = arith.constant 0 : index
    %swap3A_75 = arith.constant 0 : index
    %swap3A_76 = vector.load %arg4[%swap3A_73, %swap3A_74, %swap3A_75] : memref<8x1x256xf32, #tpu.memory_space<vmem>>, vector<1x1x256xf32>
    %swap3A_77 = vector.shape_cast %swap3A_76 : vector<1x1x256xf32> to vector<256xf32>
    %swap3A_78 = vector.shape_cast %div3A_72 : vector<256xf32> to vector<1x1x256xf32>
    tpu.vector_store %arg4[%swap3A_73, %swap3A_74, %swap3A_75], %swap3A_78 {strides = array<i32>} : memref<8x1x256xf32, #tpu.memory_space<vmem>>, vector<1x1x256xf32>,
    %broadcast_in_dim3A_79 = vector.shape_cast %reduce_max3A_63 : vector<256xf32> to vector<1x256xf32>
    %eq3A_80 = vector.broadcast %broadcast_in_dim3A_79 : vector<1x256xf32> to vector<256x256xf32>
    %eq3A_81 = arith.cmpf oeq, %get3A_56, %eq3A_80 : vector<256x256xf32>
    %jit3A_82 = arith.constant 256 : i32
    %broadcast_in_dim3A_83 = vector.broadcast %jit3A_82 : i32 to vector<256x256xi32>
    %select_n3A_84 = arith.select %eq3A_81, %iota3A, %broadcast_in_dim3A_83 : vector<256x256xi1>, vector<256x256xi32>
    %reduce_min3A_85 = arith.constant dense<2147483647> : vector<256xi32>
    %reduce_min3A_86 = vector.multi_reduction <minsi>, %select_n3A_84, %reduce_min3A_85 [0] : vector<256x256xi32> to vector<256xi32>
    %broadcast_in_dim3A_87 = vector.shape_cast %reduce_min3A_86 : vector<256xi32> to vector<1x256xi32>
    %eq3A_88 = vector.broadcast %broadcast_in_dim3A_87 : vector<1x256xi32> to vector<256x256xi32>
    %eq3A_89 = arith.cmpi eq, %iota3A, %eq3A_88 : vector<256x256xi32>
    %jit3A_90 = arith.constant -1 : i32
    %broadcast_in_dim3A_91 = vector.broadcast %jit3A_90 : i32 to vector<256x256xi32>
    %select_n3A_92 = arith.select %eq3A_89, %iota3A_0, %broadcast_in_dim3A_91 : vector<256x256xi1>, vector<256x256xi32>
    %reduce_max3A_93 = arith.constant dense<-2147483648> : vector<256xi32>
    %reduce_max3A_94 = vector.multi_reduction <maxsi>, %select_n3A_92, %reduce_max3A_93 [1] : vector<256x256xi32> to vector<256xi32>
    %broadcast_in_dim3A_95 = vector.shape_cast %reduce_max3A_94 : vector<256xi32> to vector<256x1xi32>
    %eq3A_96 = vector.broadcast %broadcast_in_dim3A_95 : vector<256x1xi32> to vector<256x256xi32>
    %eq3A_97 = arith.cmpi eq, %eq3A_96, %iota3A_0 : vector<256x256xi32>
    %convert_element_type3A_98 = arith.extui %eq3A_97 : vector<256x256xi1> to vector<256x256xi32>
    %convert_element_type3A_99 = arith.sitofp %convert_element_type3A_98 : vector<256x256xi32> to vector<256x256xf32>
    %slice3A_100 = vector.extract_strided_slice %convert_element_type3A_99 {offsets = [0, 0], sizes = [254, 256], strides = [1, 1]} : vector<256x256xf32> to vector<254x256xf32>
    %slice3A_101 = vector.extract_strided_slice %convert_element_type3A_99 {offsets = [1, 0], sizes = [254, 256], strides = [1, 1]} : vector<256x256xf32> to vector<254x256xf32>
    %add3A_102 = arith.addf %slice3A_100, %slice3A_101 : vector<254x256xf32>
    %slice3A_103 = vector.extract_strided_slice %convert_element_type3A_99 {offsets = [2, 0], sizes = [254, 256], strides = [1, 1]} : vector<256x256xf32> to vector<254x256xf32>
    %add3A_104 = arith.addf %add3A_102, %slice3A_103 : vector<254x256xf32>
    %mul3A_105 = arith.constant 0.333333343 : f32
    %mul3A_106 = vector.broadcast %mul3A_105 : f32 to vector<254x256xf32>
    %mul3A_107 = arith.mulf %add3A_104, %mul3A_106 : vector<254x256xf32>
    %slice3A_108 = vector.extract_strided_slice %convert_element_type3A_99 {offsets = [0, 0], sizes = [1, 256], strides = [1, 1]} : vector<256x256xf32> to vector<1x256xf32>
    %slice3A_109 = vector.extract_strided_slice %convert_element_type3A_99 {offsets = [255, 0], sizes = [1, 256], strides = [1, 1]} : vector<256x256xf32> to vector<1x256xf32>
    %concatenate3A_110 = tpu.concatenate %slice3A_108, %mul3A_107, %slice3A_109 in 0 : vector<1x256xf32>, vector<254x256xf32>, vector<1x256xf32> -> vector<256x256xf32>
    %convert_element_type3A_111 = arith.truncf %get3A_61 : vector<256x768xf32> to vector<256x768xbf16>
    %convert_element_type3A_112 = arith.truncf %concatenate3A_110 : vector<256x256xf32> to vector<256x256xbf16>
    %dot_general3A_113 = arith.constant dense<0.000000e+00> : vector<768x256xf32>
    %dot_general3A_114 = tpu.matmul %convert_element_type3A_111, %convert_element_type3A_112, %dot_general3A_113 {dimension_numbers = #tpu.dot_dimension_numbers<[0], [1], [1], [0], [0, 1, 1, 0], [], []>, transpose_lhs_hint = false} : vector<256x768xbf16>, vector<256x256xbf16>, vector<768x256xf32> -> vector<768x256xf32>
    %swap3A_115 = arith.constant 1 : index
    %swap3A_116 = arith.constant 0 : index
    %swap3A_117 = arith.constant 0 : index
    %swap3A_118 = vector.load %arg3[%swap3A_115, %swap3A_116, %swap3A_117] : memref<8x768x256xf32, #tpu.memory_space<vmem>>, vector<1x768x256xf32>
    %swap3A_119 = vector.shape_cast %swap3A_118 : vector<1x768x256xf32> to vector<768x256xf32>
    %swap3A_120 = vector.shape_cast %dot_general3A_114 : vector<768x256xf32> to vector<1x768x256xf32>
    tpu.vector_store %arg3[%swap3A_115, %swap3A_116, %swap3A_117], %swap3A_120 {strides = array<i32>} : memref<8x768x256xf32, #tpu.memory_space<vmem>>, vector<1x768x256xf32>,
    %get3A_121 = arith.constant 2 : index
    %get3A_122 = arith.constant 0 : index
    %get3A_123 = arith.constant 0 : index
    %get3A_124 = vector.load %arg2[%get3A_121, %get3A_122, %get3A_123] : memref<8x256x256xf32, #tpu.memory_space<vmem>>, vector<1x256x256xf32>
    %get3A_125 = vector.shape_cast %get3A_124 : vector<1x256x256xf32> to vector<256x256xf32>
    %get3A_126 = arith.constant 2 : index
    %get3A_127 = arith.constant 0 : index
    %get3A_128 = arith.constant 0 : index
    %get3A_129 = vector.load %arg1[%get3A_126, %get3A_127, %get3A_128] : memref<8x256x768xf32, #tpu.memory_space<vmem>>, vector<1x256x768xf32>
    %get3A_130 = vector.shape_cast %get3A_129 : vector<1x256x768xf32> to vector<256x768xf32>
    %reduce_max3A_131 = arith.constant dense<0xFF800000> : vector<256xf32>
    %reduce_max3A_132 = vector.multi_reduction <maximumf>, %get3A_125, %reduce_max3A_131 [0] : vector<256x256xf32> to vector<256xf32>
    %broadcast_in_dim3A_133 = vector.shape_cast %reduce_max3A_132 : vector<256xf32> to vector<1x256xf32>
    %sub3A_134 = vector.broadcast %broadcast_in_dim3A_133 : vector<1x256xf32> to vector<256x256xf32>
    %sub3A_135 = arith.subf %get3A_125, %sub3A_134 : vector<256x256xf32>
    %exp3A_136 = math.exp %sub3A_135 : vector<256x256xf32>
    %reduce_sum3A_137 = arith.constant dense<0.000000e+00> : vector<256xf32>
    %reduce_sum3A_138 = vector.multi_reduction <add>, %exp3A_136, %reduce_sum3A_137 [0] : vector<256x256xf32> to vector<256xf32>
    %div3A_139 = arith.constant 1.000000e+00 : f32
    %div3A_140 = vector.broadcast %div3A_139 : f32 to vector<256xf32>
    %div3A_141 = arith.divf %div3A_140, %reduce_sum3A_138 : vector<256xf32>
    %swap3A_142 = arith.constant 2 : index
    %swap3A_143 = arith.constant 0 : index
    %swap3A_144 = arith.constant 0 : index
    %swap3A_145 = vector.load %arg4[%swap3A_142, %swap3A_143, %swap3A_144] : memref<8x1x256xf32, #tpu.memory_space<vmem>>, vector<1x1x256xf32>
    %swap3A_146 = vector.shape_cast %swap3A_145 : vector<1x1x256xf32> to vector<256xf32>
    %swap3A_147 = vector.shape_cast %div3A_141 : vector<256xf32> to vector<1x1x256xf32>
    tpu.vector_store %arg4[%swap3A_142, %swap3A_143, %swap3A_144], %swap3A_147 {strides = array<i32>} : memref<8x1x256xf32, #tpu.memory_space<vmem>>, vector<1x1x256xf32>,
    %broadcast_in_dim3A_148 = vector.shape_cast %reduce_max3A_132 : vector<256xf32> to vector<1x256xf32>
    %eq3A_149 = vector.broadcast %broadcast_in_dim3A_148 : vector<1x256xf32> to vector<256x256xf32>
    %eq3A_150 = arith.cmpf oeq, %get3A_125, %eq3A_149 : vector<256x256xf32>
    %jit3A_151 = arith.constant 256 : i32
    %broadcast_in_dim3A_152 = vector.broadcast %jit3A_151 : i32 to vector<256x256xi32>
    %select_n3A_153 = arith.select %eq3A_150, %iota3A, %broadcast_in_dim3A_152 : vector<256x256xi1>, vector<256x256xi32>
    %reduce_min3A_154 = arith.constant dense<2147483647> : vector<256xi32>
    %reduce_min3A_155 = vector.multi_reduction <minsi>, %select_n3A_153, %reduce_min3A_154 [0] : vector<256x256xi32> to vector<256xi32>
    %broadcast_in_dim3A_156 = vector.shape_cast %reduce_min3A_155 : vector<256xi32> to vector<1x256xi32>
    %eq3A_157 = vector.broadcast %broadcast_in_dim3A_156 : vector<1x256xi32> to vector<256x256xi32>
    %eq3A_158 = arith.cmpi eq, %iota3A, %eq3A_157 : vector<256x256xi32>
    %jit3A_159 = arith.constant -1 : i32
    %broadcast_in_dim3A_160 = vector.broadcast %jit3A_159 : i32 to vector<256x256xi32>
    %select_n3A_161 = arith.select %eq3A_158, %iota3A_0, %broadcast_in_dim3A_160 : vector<256x256xi1>, vector<256x256xi32>
    %reduce_max3A_162 = arith.constant dense<-2147483648> : vector<256xi32>
    %reduce_max3A_163 = vector.multi_reduction <maxsi>, %select_n3A_161, %reduce_max3A_162 [1] : vector<256x256xi32> to vector<256xi32>
    %broadcast_in_dim3A_164 = vector.shape_cast %reduce_max3A_163 : vector<256xi32> to vector<256x1xi32>
    %eq3A_165 = vector.broadcast %broadcast_in_dim3A_164 : vector<256x1xi32> to vector<256x256xi32>
    %eq3A_166 = arith.cmpi eq, %eq3A_165, %iota3A_0 : vector<256x256xi32>
    %convert_element_type3A_167 = arith.extui %eq3A_166 : vector<256x256xi1> to vector<256x256xi32>
    %convert_element_type3A_168 = arith.sitofp %convert_element_type3A_167 : vector<256x256xi32> to vector<256x256xf32>
    %slice3A_169 = vector.extract_strided_slice %convert_element_type3A_168 {offsets = [0, 0], sizes = [254, 256], strides = [1, 1]} : vector<256x256xf32> to vector<254x256xf32>
    %slice3A_170 = vector.extract_strided_slice %convert_element_type3A_168 {offsets = [1, 0], sizes = [254, 256], strides = [1, 1]} : vector<256x256xf32> to vector<254x256xf32>
    %add3A_171 = arith.addf %slice3A_169, %slice3A_170 : vector<254x256xf32>
    %slice3A_172 = vector.extract_strided_slice %convert_element_type3A_168 {offsets = [2, 0], sizes = [254, 256], strides = [1, 1]} : vector<256x256xf32> to vector<254x256xf32>
    %add3A_173 = arith.addf %add3A_171, %slice3A_172 : vector<254x256xf32>
    %mul3A_174 = arith.constant 0.333333343 : f32
    %mul3A_175 = vector.broadcast %mul3A_174 : f32 to vector<254x256xf32>
    %mul3A_176 = arith.mulf %add3A_173, %mul3A_175 : vector<254x256xf32>
    %slice3A_177 = vector.extract_strided_slice %convert_element_type3A_168 {offsets = [0, 0], sizes = [1, 256], strides = [1, 1]} : vector<256x256xf32> to vector<1x256xf32>
    %slice3A_178 = vector.extract_strided_slice %convert_element_type3A_168 {offsets = [255, 0], sizes = [1, 256], strides = [1, 1]} : vector<256x256xf32> to vector<1x256xf32>
    %concatenate3A_179 = tpu.concatenate %slice3A_177, %mul3A_176, %slice3A_178 in 0 : vector<1x256xf32>, vector<254x256xf32>, vector<1x256xf32> -> vector<256x256xf32>
    %convert_element_type3A_180 = arith.truncf %get3A_130 : vector<256x768xf32> to vector<256x768xbf16>
    %convert_element_type3A_181 = arith.truncf %concatenate3A_179 : vector<256x256xf32> to vector<256x256xbf16>
    %dot_general3A_182 = arith.constant dense<0.000000e+00> : vector<768x256xf32>
    %dot_general3A_183 = tpu.matmul %convert_element_type3A_180, %convert_element_type3A_181, %dot_general3A_182 {dimension_numbers = #tpu.dot_dimension_numbers<[0], [1], [1], [0], [0, 1, 1, 0], [], []>, transpose_lhs_hint = false} : vector<256x768xbf16>, vector<256x256xbf16>, vector<768x256xf32> -> vector<768x256xf32>
    %swap3A_184 = arith.constant 2 : index
    %swap3A_185 = arith.constant 0 : index
    %swap3A_186 = arith.constant 0 : index
    %swap3A_187 = vector.load %arg3[%swap3A_184, %swap3A_185, %swap3A_186] : memref<8x768x256xf32, #tpu.memory_space<vmem>>, vector<1x768x256xf32>
    %swap3A_188 = vector.shape_cast %swap3A_187 : vector<1x768x256xf32> to vector<768x256xf32>
    %swap3A_189 = vector.shape_cast %dot_general3A_183 : vector<768x256xf32> to vector<1x768x256xf32>
    tpu.vector_store %arg3[%swap3A_184, %swap3A_185, %swap3A_186], %swap3A_189 {strides = array<i32>} : memref<8x768x256xf32, #tpu.memory_space<vmem>>, vector<1x768x256xf32>,
    %get3A_190 = arith.constant 3 : index
    %get3A_191 = arith.constant 0 : index
    %get3A_192 = arith.constant 0 : index
    %get3A_193 = vector.load %arg2[%get3A_190, %get3A_191, %get3A_192] : memref<8x256x256xf32, #tpu.memory_space<vmem>>, vector<1x256x256xf32>
    %get3A_194 = vector.shape_cast %get3A_193 : vector<1x256x256xf32> to vector<256x256xf32>
    %get3A_195 = arith.constant 3 : index
    %get3A_196 = arith.constant 0 : index
    %get3A_197 = arith.constant 0 : index
    %get3A_198 = vector.load %arg1[%get3A_195, %get3A_196, %get3A_197] : memref<8x256x768xf32, #tpu.memory_space<vmem>>, vector<1x256x768xf32>
    %get3A_199 = vector.shape_cast %get3A_198 : vector<1x256x768xf32> to vector<256x768xf32>
    %reduce_max3A_200 = arith.constant dense<0xFF800000> : vector<256xf32>
    %reduce_max3A_201 = vector.multi_reduction <maximumf>, %get3A_194, %reduce_max3A_200 [0] : vector<256x256xf32> to vector<256xf32>
    %broadcast_in_dim3A_202 = vector.shape_cast %reduce_max3A_201 : vector<256xf32> to vector<1x256xf32>
    %sub3A_203 = vector.broadcast %broadcast_in_dim3A_202 : vector<1x256xf32> to vector<256x256xf32>
    %sub3A_204 = arith.subf %get3A_194, %sub3A_203 : vector<256x256xf32>
    %exp3A_205 = math.exp %sub3A_204 : vector<256x256xf32>
    %reduce_sum3A_206 = arith.constant dense<0.000000e+00> : vector<256xf32>
    %reduce_sum3A_207 = vector.multi_reduction <add>, %exp3A_205, %reduce_sum3A_206 [0] : vector<256x256xf32> to vector<256xf32>
    %div3A_208 = arith.constant 1.000000e+00 : f32
    %div3A_209 = vector.broadcast %div3A_208 : f32 to vector<256xf32>
    %div3A_210 = arith.divf %div3A_209, %reduce_sum3A_207 : vector<256xf32>
    %swap3A_211 = arith.constant 3 : index
    %swap3A_212 = arith.constant 0 : index
    %swap3A_213 = arith.constant 0 : index
    %swap3A_214 = vector.load %arg4[%swap3A_211, %swap3A_212, %swap3A_213] : memref<8x1x256xf32, #tpu.memory_space<vmem>>, vector<1x1x256xf32>
    %swap3A_215 = vector.shape_cast %swap3A_214 : vector<1x1x256xf32> to vector<256xf32>
    %swap3A_216 = vector.shape_cast %div3A_210 : vector<256xf32> to vector<1x1x256xf32>
    tpu.vector_store %arg4[%swap3A_211, %swap3A_212, %swap3A_213], %swap3A_216 {strides = array<i32>} : memref<8x1x256xf32, #tpu.memory_space<vmem>>, vector<1x1x256xf32>,
    %broadcast_in_dim3A_217 = vector.shape_cast %reduce_max3A_201 : vector<256xf32> to vector<1x256xf32>
    %eq3A_218 = vector.broadcast %broadcast_in_dim3A_217 : vector<1x256xf32> to vector<256x256xf32>
    %eq3A_219 = arith.cmpf oeq, %get3A_194, %eq3A_218 : vector<256x256xf32>
    %jit3A_220 = arith.constant 256 : i32
    %broadcast_in_dim3A_221 = vector.broadcast %jit3A_220 : i32 to vector<256x256xi32>
    %select_n3A_222 = arith.select %eq3A_219, %iota3A, %broadcast_in_dim3A_221 : vector<256x256xi1>, vector<256x256xi32>
    %reduce_min3A_223 = arith.constant dense<2147483647> : vector<256xi32>
    %reduce_min3A_224 = vector.multi_reduction <minsi>, %select_n3A_222, %reduce_min3A_223 [0] : vector<256x256xi32> to vector<256xi32>
    %broadcast_in_dim3A_225 = vector.shape_cast %reduce_min3A_224 : vector<256xi32> to vector<1x256xi32>
    %eq3A_226 = vector.broadcast %broadcast_in_dim3A_225 : vector<1x256xi32> to vector<256x256xi32>
    %eq3A_227 = arith.cmpi eq, %iota3A, %eq3A_226 : vector<256x256xi32>
    %jit3A_228 = arith.constant -1 : i32
    %broadcast_in_dim3A_229 = vector.broadcast %jit3A_228 : i32 to vector<256x256xi32>
    %select_n3A_230 = arith.select %eq3A_227, %iota3A_0, %broadcast_in_dim3A_229 : vector<256x256xi1>, vector<256x256xi32>
    %reduce_max3A_231 = arith.constant dense<-2147483648> : vector<256xi32>
    %reduce_max3A_232 = vector.multi_reduction <maxsi>, %select_n3A_230, %reduce_max3A_231 [1] : vector<256x256xi32> to vector<256xi32>
    %broadcast_in_dim3A_233 = vector.shape_cast %reduce_max3A_232 : vector<256xi32> to vector<256x1xi32>
    %eq3A_234 = vector.broadcast %broadcast_in_dim3A_233 : vector<256x1xi32> to vector<256x256xi32>
    %eq3A_235 = arith.cmpi eq, %eq3A_234, %iota3A_0 : vector<256x256xi32>
    %convert_element_type3A_236 = arith.extui %eq3A_235 : vector<256x256xi1> to vector<256x256xi32>
    %convert_element_type3A_237 = arith.sitofp %convert_element_type3A_236 : vector<256x256xi32> to vector<256x256xf32>
    %slice3A_238 = vector.extract_strided_slice %convert_element_type3A_237 {offsets = [0, 0], sizes = [254, 256], strides = [1, 1]} : vector<256x256xf32> to vector<254x256xf32>
    %slice3A_239 = vector.extract_strided_slice %convert_element_type3A_237 {offsets = [1, 0], sizes = [254, 256], strides = [1, 1]} : vector<256x256xf32> to vector<254x256xf32>
    %add3A_240 = arith.addf %slice3A_238, %slice3A_239 : vector<254x256xf32>
    %slice3A_241 = vector.extract_strided_slice %convert_element_type3A_237 {offsets = [2, 0], sizes = [254, 256], strides = [1, 1]} : vector<256x256xf32> to vector<254x256xf32>
    %add3A_242 = arith.addf %add3A_240, %slice3A_241 : vector<254x256xf32>
    %mul3A_243 = arith.constant 0.333333343 : f32
    %mul3A_244 = vector.broadcast %mul3A_243 : f32 to vector<254x256xf32>
    %mul3A_245 = arith.mulf %add3A_242, %mul3A_244 : vector<254x256xf32>
    %slice3A_246 = vector.extract_strided_slice %convert_element_type3A_237 {offsets = [0, 0], sizes = [1, 256], strides = [1, 1]} : vector<256x256xf32> to vector<1x256xf32>
    %slice3A_247 = vector.extract_strided_slice %convert_element_type3A_237 {offsets = [255, 0], sizes = [1, 256], strides = [1, 1]} : vector<256x256xf32> to vector<1x256xf32>
    %concatenate3A_248 = tpu.concatenate %slice3A_246, %mul3A_245, %slice3A_247 in 0 : vector<1x256xf32>, vector<254x256xf32>, vector<1x256xf32> -> vector<256x256xf32>
    %convert_element_type3A_249 = arith.truncf %get3A_199 : vector<256x768xf32> to vector<256x768xbf16>
    %convert_element_type3A_250 = arith.truncf %concatenate3A_248 : vector<256x256xf32> to vector<256x256xbf16>
    %dot_general3A_251 = arith.constant dense<0.000000e+00> : vector<768x256xf32>
    %dot_general3A_252 = tpu.matmul %convert_element_type3A_249, %convert_element_type3A_250, %dot_general3A_251 {dimension_numbers = #tpu.dot_dimension_numbers<[0], [1], [1], [0], [0, 1, 1, 0], [], []>, transpose_lhs_hint = false} : vector<256x768xbf16>, vector<256x256xbf16>, vector<768x256xf32> -> vector<768x256xf32>
    %swap3A_253 = arith.constant 3 : index
    %swap3A_254 = arith.constant 0 : index
    %swap3A_255 = arith.constant 0 : index
    %swap3A_256 = vector.load %arg3[%swap3A_253, %swap3A_254, %swap3A_255] : memref<8x768x256xf32, #tpu.memory_space<vmem>>, vector<1x768x256xf32>
    %swap3A_257 = vector.shape_cast %swap3A_256 : vector<1x768x256xf32> to vector<768x256xf32>
    %swap3A_258 = vector.shape_cast %dot_general3A_252 : vector<768x256xf32> to vector<1x768x256xf32>
    tpu.vector_store %arg3[%swap3A_253, %swap3A_254, %swap3A_255], %swap3A_258 {strides = array<i32>} : memref<8x768x256xf32, #tpu.memory_space<vmem>>, vector<1x768x256xf32>,
    %get3A_259 = arith.constant 4 : index
    %get3A_260 = arith.constant 0 : index
    %get3A_261 = arith.constant 0 : index
    %get3A_262 = vector.load %arg2[%get3A_259, %get3A_260, %get3A_261] : memref<8x256x256xf32, #tpu.memory_space<vmem>>, vector<1x256x256xf32>
    %get3A_263 = vector.shape_cast %get3A_262 : vector<1x256x256xf32> to vector<256x256xf32>
    %get3A_264 = arith.constant 4 : index
    %get3A_265 = arith.constant 0 : index
    %get3A_266 = arith.constant 0 : index
    %get3A_267 = vector.load %arg1[%get3A_264, %get3A_265, %get3A_266] : memref<8x256x768xf32, #tpu.memory_space<vmem>>, vector<1x256x768xf32>
    %get3A_268 = vector.shape_cast %get3A_267 : vector<1x256x768xf32> to vector<256x768xf32>
    %reduce_max3A_269 = arith.constant dense<0xFF800000> : vector<256xf32>
    %reduce_max3A_270 = vector.multi_reduction <maximumf>, %get3A_263, %reduce_max3A_269 [0] : vector<256x256xf32> to vector<256xf32>
    %broadcast_in_dim3A_271 = vector.shape_cast %reduce_max3A_270 : vector<256xf32> to vector<1x256xf32>
    %sub3A_272 = vector.broadcast %broadcast_in_dim3A_271 : vector<1x256xf32> to vector<256x256xf32>
    %sub3A_273 = arith.subf %get3A_263, %sub3A_272 : vector<256x256xf32>
    %exp3A_274 = math.exp %sub3A_273 : vector<256x256xf32>
    %reduce_sum3A_275 = arith.constant dense<0.000000e+00> : vector<256xf32>
    %reduce_sum3A_276 = vector.multi_reduction <add>, %exp3A_274, %reduce_sum3A_275 [0] : vector<256x256xf32> to vector<256xf32>
    %div3A_277 = arith.constant 1.000000e+00 : f32
    %div3A_278 = vector.broadcast %div3A_277 : f32 to vector<256xf32>
    %div3A_279 = arith.divf %div3A_278, %reduce_sum3A_276 : vector<256xf32>
    %swap3A_280 = arith.constant 4 : index
    %swap3A_281 = arith.constant 0 : index
    %swap3A_282 = arith.constant 0 : index
    %swap3A_283 = vector.load %arg4[%swap3A_280, %swap3A_281, %swap3A_282] : memref<8x1x256xf32, #tpu.memory_space<vmem>>, vector<1x1x256xf32>
    %swap3A_284 = vector.shape_cast %swap3A_283 : vector<1x1x256xf32> to vector<256xf32>
    %swap3A_285 = vector.shape_cast %div3A_279 : vector<256xf32> to vector<1x1x256xf32>
    tpu.vector_store %arg4[%swap3A_280, %swap3A_281, %swap3A_282], %swap3A_285 {strides = array<i32>} : memref<8x1x256xf32, #tpu.memory_space<vmem>>, vector<1x1x256xf32>,
    %broadcast_in_dim3A_286 = vector.shape_cast %reduce_max3A_270 : vector<256xf32> to vector<1x256xf32>
    %eq3A_287 = vector.broadcast %broadcast_in_dim3A_286 : vector<1x256xf32> to vector<256x256xf32>
    %eq3A_288 = arith.cmpf oeq, %get3A_263, %eq3A_287 : vector<256x256xf32>
    %jit3A_289 = arith.constant 256 : i32
    %broadcast_in_dim3A_290 = vector.broadcast %jit3A_289 : i32 to vector<256x256xi32>
    %select_n3A_291 = arith.select %eq3A_288, %iota3A, %broadcast_in_dim3A_290 : vector<256x256xi1>, vector<256x256xi32>
    %reduce_min3A_292 = arith.constant dense<2147483647> : vector<256xi32>
    %reduce_min3A_293 = vector.multi_reduction <minsi>, %select_n3A_291, %reduce_min3A_292 [0] : vector<256x256xi32> to vector<256xi32>
    %broadcast_in_dim3A_294 = vector.shape_cast %reduce_min3A_293 : vector<256xi32> to vector<1x256xi32>
    %eq3A_295 = vector.broadcast %broadcast_in_dim3A_294 : vector<1x256xi32> to vector<256x256xi32>
    %eq3A_296 = arith.cmpi eq, %iota3A, %eq3A_295 : vector<256x256xi32>
    %jit3A_297 = arith.constant -1 : i32
    %broadcast_in_dim3A_298 = vector.broadcast %jit3A_297 : i32 to vector<256x256xi32>
    %select_n3A_299 = arith.select %eq3A_296, %iota3A_0, %broadcast_in_dim3A_298 : vector<256x256xi1>, vector<256x256xi32>
    %reduce_max3A_300 = arith.constant dense<-2147483648> : vector<256xi32>
    %reduce_max3A_301 = vector.multi_reduction <maxsi>, %select_n3A_299, %reduce_max3A_300 [1] : vector<256x256xi32> to vector<256xi32>
    %broadcast_in_dim3A_302 = vector.shape_cast %reduce_max3A_301 : vector<256xi32> to vector<256x1xi32>
    %eq3A_303 = vector.broadcast %broadcast_in_dim3A_302 : vector<256x1xi32> to vector<256x256xi32>
    %eq3A_304 = arith.cmpi eq, %eq3A_303, %iota3A_0 : vector<256x256xi32>
    %convert_element_type3A_305 = arith.extui %eq3A_304 : vector<256x256xi1> to vector<256x256xi32>
    %convert_element_type3A_306 = arith.sitofp %convert_element_type3A_305 : vector<256x256xi32> to vector<256x256xf32>
    %slice3A_307 = vector.extract_strided_slice %convert_element_type3A_306 {offsets = [0, 0], sizes = [254, 256], strides = [1, 1]} : vector<256x256xf32> to vector<254x256xf32>
    %slice3A_308 = vector.extract_strided_slice %convert_element_type3A_306 {offsets = [1, 0], sizes = [254, 256], strides = [1, 1]} : vector<256x256xf32> to vector<254x256xf32>
    %add3A_309 = arith.addf %slice3A_307, %slice3A_308 : vector<254x256xf32>
    %slice3A_310 = vector.extract_strided_slice %convert_element_type3A_306 {offsets = [2, 0], sizes = [254, 256], strides = [1, 1]} : vector<256x256xf32> to vector<254x256xf32>
    %add3A_311 = arith.addf %add3A_309, %slice3A_310 : vector<254x256xf32>
    %mul3A_312 = arith.constant 0.333333343 : f32
    %mul3A_313 = vector.broadcast %mul3A_312 : f32 to vector<254x256xf32>
    %mul3A_314 = arith.mulf %add3A_311, %mul3A_313 : vector<254x256xf32>
    %slice3A_315 = vector.extract_strided_slice %convert_element_type3A_306 {offsets = [0, 0], sizes = [1, 256], strides = [1, 1]} : vector<256x256xf32> to vector<1x256xf32>
    %slice3A_316 = vector.extract_strided_slice %convert_element_type3A_306 {offsets = [255, 0], sizes = [1, 256], strides = [1, 1]} : vector<256x256xf32> to vector<1x256xf32>
    %concatenate3A_317 = tpu.concatenate %slice3A_315, %mul3A_314, %slice3A_316 in 0 : vector<1x256xf32>, vector<254x256xf32>, vector<1x256xf32> -> vector<256x256xf32>
    %convert_element_type3A_318 = arith.truncf %get3A_268 : vector<256x768xf32> to vector<256x768xbf16>
    %convert_element_type3A_319 = arith.truncf %concatenate3A_317 : vector<256x256xf32> to vector<256x256xbf16>
    %dot_general3A_320 = arith.constant dense<0.000000e+00> : vector<768x256xf32>
    %dot_general3A_321 = tpu.matmul %convert_element_type3A_318, %convert_element_type3A_319, %dot_general3A_320 {dimension_numbers = #tpu.dot_dimension_numbers<[0], [1], [1], [0], [0, 1, 1, 0], [], []>, transpose_lhs_hint = false} : vector<256x768xbf16>, vector<256x256xbf16>, vector<768x256xf32> -> vector<768x256xf32>
    %swap3A_322 = arith.constant 4 : index
    %swap3A_323 = arith.constant 0 : index
    %swap3A_324 = arith.constant 0 : index
    %swap3A_325 = vector.load %arg3[%swap3A_322, %swap3A_323, %swap3A_324] : memref<8x768x256xf32, #tpu.memory_space<vmem>>, vector<1x768x256xf32>
    %swap3A_326 = vector.shape_cast %swap3A_325 : vector<1x768x256xf32> to vector<768x256xf32>
    %swap3A_327 = vector.shape_cast %dot_general3A_321 : vector<768x256xf32> to vector<1x768x256xf32>
    tpu.vector_store %arg3[%swap3A_322, %swap3A_323, %swap3A_324], %swap3A_327 {strides = array<i32>} : memref<8x768x256xf32, #tpu.memory_space<vmem>>, vector<1x768x256xf32>,
    %get3A_328 = arith.constant 5 : index
    %get3A_329 = arith.constant 0 : index
    %get3A_330 = arith.constant 0 : index
    %get3A_331 = vector.load %arg2[%get3A_328, %get3A_329, %get3A_330] : memref<8x256x256xf32, #tpu.memory_space<vmem>>, vector<1x256x256xf32>
    %get3A_332 = vector.shape_cast %get3A_331 : vector<1x256x256xf32> to vector<256x256xf32>
    %get3A_333 = arith.constant 5 : index
    %get3A_334 = arith.constant 0 : index
    %get3A_335 = arith.constant 0 : index
    %get3A_336 = vector.load %arg1[%get3A_333, %get3A_334, %get3A_335] : memref<8x256x768xf32, #tpu.memory_space<vmem>>, vector<1x256x768xf32>
    %get3A_337 = vector.shape_cast %get3A_336 : vector<1x256x768xf32> to vector<256x768xf32>
    %reduce_max3A_338 = arith.constant dense<0xFF800000> : vector<256xf32>
    %reduce_max3A_339 = vector.multi_reduction <maximumf>, %get3A_332, %reduce_max3A_338 [0] : vector<256x256xf32> to vector<256xf32>
    %broadcast_in_dim3A_340 = vector.shape_cast %reduce_max3A_339 : vector<256xf32> to vector<1x256xf32>
    %sub3A_341 = vector.broadcast %broadcast_in_dim3A_340 : vector<1x256xf32> to vector<256x256xf32>
    %sub3A_342 = arith.subf %get3A_332, %sub3A_341 : vector<256x256xf32>
    %exp3A_343 = math.exp %sub3A_342 : vector<256x256xf32>
    %reduce_sum3A_344 = arith.constant dense<0.000000e+00> : vector<256xf32>
    %reduce_sum3A_345 = vector.multi_reduction <add>, %exp3A_343, %reduce_sum3A_344 [0] : vector<256x256xf32> to vector<256xf32>
    %div3A_346 = arith.constant 1.000000e+00 : f32
    %div3A_347 = vector.broadcast %div3A_346 : f32 to vector<256xf32>
    %div3A_348 = arith.divf %div3A_347, %reduce_sum3A_345 : vector<256xf32>
    %swap3A_349 = arith.constant 5 : index
    %swap3A_350 = arith.constant 0 : index
    %swap3A_351 = arith.constant 0 : index
    %swap3A_352 = vector.load %arg4[%swap3A_349, %swap3A_350, %swap3A_351] : memref<8x1x256xf32, #tpu.memory_space<vmem>>, vector<1x1x256xf32>
    %swap3A_353 = vector.shape_cast %swap3A_352 : vector<1x1x256xf32> to vector<256xf32>
    %swap3A_354 = vector.shape_cast %div3A_348 : vector<256xf32> to vector<1x1x256xf32>
    tpu.vector_store %arg4[%swap3A_349, %swap3A_350, %swap3A_351], %swap3A_354 {strides = array<i32>} : memref<8x1x256xf32, #tpu.memory_space<vmem>>, vector<1x1x256xf32>,
    %broadcast_in_dim3A_355 = vector.shape_cast %reduce_max3A_339 : vector<256xf32> to vector<1x256xf32>
    %eq3A_356 = vector.broadcast %broadcast_in_dim3A_355 : vector<1x256xf32> to vector<256x256xf32>
    %eq3A_357 = arith.cmpf oeq, %get3A_332, %eq3A_356 : vector<256x256xf32>
    %jit3A_358 = arith.constant 256 : i32
    %broadcast_in_dim3A_359 = vector.broadcast %jit3A_358 : i32 to vector<256x256xi32>
    %select_n3A_360 = arith.select %eq3A_357, %iota3A, %broadcast_in_dim3A_359 : vector<256x256xi1>, vector<256x256xi32>
    %reduce_min3A_361 = arith.constant dense<2147483647> : vector<256xi32>
    %reduce_min3A_362 = vector.multi_reduction <minsi>, %select_n3A_360, %reduce_min3A_361 [0] : vector<256x256xi32> to vector<256xi32>
    %broadcast_in_dim3A_363 = vector.shape_cast %reduce_min3A_362 : vector<256xi32> to vector<1x256xi32>
    %eq3A_364 = vector.broadcast %broadcast_in_dim3A_363 : vector<1x256xi32> to vector<256x256xi32>
    %eq3A_365 = arith.cmpi eq, %iota3A, %eq3A_364 : vector<256x256xi32>
    %jit3A_366 = arith.constant -1 : i32
    %broadcast_in_dim3A_367 = vector.broadcast %jit3A_366 : i32 to vector<256x256xi32>
    %select_n3A_368 = arith.select %eq3A_365, %iota3A_0, %broadcast_in_dim3A_367 : vector<256x256xi1>, vector<256x256xi32>
    %reduce_max3A_369 = arith.constant dense<-2147483648> : vector<256xi32>
    %reduce_max3A_370 = vector.multi_reduction <maxsi>, %select_n3A_368, %reduce_max3A_369 [1] : vector<256x256xi32> to vector<256xi32>
    %broadcast_in_dim3A_371 = vector.shape_cast %reduce_max3A_370 : vector<256xi32> to vector<256x1xi32>
    %eq3A_372 = vector.broadcast %broadcast_in_dim3A_371 : vector<256x1xi32> to vector<256x256xi32>
    %eq3A_373 = arith.cmpi eq, %eq3A_372, %iota3A_0 : vector<256x256xi32>
    %convert_element_type3A_374 = arith.extui %eq3A_373 : vector<256x256xi1> to vector<256x256xi32>
    %convert_element_type3A_375 = arith.sitofp %convert_element_type3A_374 : vector<256x256xi32> to vector<256x256xf32>
    %slice3A_376 = vector.extract_strided_slice %convert_element_type3A_375 {offsets = [0, 0], sizes = [254, 256], strides = [1, 1]} : vector<256x256xf32> to vector<254x256xf32>
    %slice3A_377 = vector.extract_strided_slice %convert_element_type3A_375 {offsets = [1, 0], sizes = [254, 256], strides = [1, 1]} : vector<256x256xf32> to vector<254x256xf32>
    %add3A_378 = arith.addf %slice3A_376, %slice3A_377 : vector<254x256xf32>
    %slice3A_379 = vector.extract_strided_slice %convert_element_type3A_375 {offsets = [2, 0], sizes = [254, 256], strides = [1, 1]} : vector<256x256xf32> to vector<254x256xf32>
    %add3A_380 = arith.addf %add3A_378, %slice3A_379 : vector<254x256xf32>
    %mul3A_381 = arith.constant 0.333333343 : f32
    %mul3A_382 = vector.broadcast %mul3A_381 : f32 to vector<254x256xf32>
    %mul3A_383 = arith.mulf %add3A_380, %mul3A_382 : vector<254x256xf32>
    %slice3A_384 = vector.extract_strided_slice %convert_element_type3A_375 {offsets = [0, 0], sizes = [1, 256], strides = [1, 1]} : vector<256x256xf32> to vector<1x256xf32>
    %slice3A_385 = vector.extract_strided_slice %convert_element_type3A_375 {offsets = [255, 0], sizes = [1, 256], strides = [1, 1]} : vector<256x256xf32> to vector<1x256xf32>
    %concatenate3A_386 = tpu.concatenate %slice3A_384, %mul3A_383, %slice3A_385 in 0 : vector<1x256xf32>, vector<254x256xf32>, vector<1x256xf32> -> vector<256x256xf32>
    %convert_element_type3A_387 = arith.truncf %get3A_337 : vector<256x768xf32> to vector<256x768xbf16>
    %convert_element_type3A_388 = arith.truncf %concatenate3A_386 : vector<256x256xf32> to vector<256x256xbf16>
    %dot_general3A_389 = arith.constant dense<0.000000e+00> : vector<768x256xf32>
    %dot_general3A_390 = tpu.matmul %convert_element_type3A_387, %convert_element_type3A_388, %dot_general3A_389 {dimension_numbers = #tpu.dot_dimension_numbers<[0], [1], [1], [0], [0, 1, 1, 0], [], []>, transpose_lhs_hint = false} : vector<256x768xbf16>, vector<256x256xbf16>, vector<768x256xf32> -> vector<768x256xf32>
    %swap3A_391 = arith.constant 5 : index
    %swap3A_392 = arith.constant 0 : index
    %swap3A_393 = arith.constant 0 : index
    %swap3A_394 = vector.load %arg3[%swap3A_391, %swap3A_392, %swap3A_393] : memref<8x768x256xf32, #tpu.memory_space<vmem>>, vector<1x768x256xf32>
    %swap3A_395 = vector.shape_cast %swap3A_394 : vector<1x768x256xf32> to vector<768x256xf32>
    %swap3A_396 = vector.shape_cast %dot_general3A_390 : vector<768x256xf32> to vector<1x768x256xf32>
    tpu.vector_store %arg3[%swap3A_391, %swap3A_392, %swap3A_393], %swap3A_396 {strides = array<i32>} : memref<8x768x256xf32, #tpu.memory_space<vmem>>, vector<1x768x256xf32>,
    %get3A_397 = arith.constant 6 : index
    %get3A_398 = arith.constant 0 : index
    %get3A_399 = arith.constant 0 : index
    %get3A_400 = vector.load %arg2[%get3A_397, %get3A_398, %get3A_399] : memref<8x256x256xf32, #tpu.memory_space<vmem>>, vector<1x256x256xf32>
    %get3A_401 = vector.shape_cast %get3A_400 : vector<1x256x256xf32> to vector<256x256xf32>
    %get3A_402 = arith.constant 6 : index
    %get3A_403 = arith.constant 0 : index
    %get3A_404 = arith.constant 0 : index
    %get3A_405 = vector.load %arg1[%get3A_402, %get3A_403, %get3A_404] : memref<8x256x768xf32, #tpu.memory_space<vmem>>, vector<1x256x768xf32>
    %get3A_406 = vector.shape_cast %get3A_405 : vector<1x256x768xf32> to vector<256x768xf32>
    %reduce_max3A_407 = arith.constant dense<0xFF800000> : vector<256xf32>
    %reduce_max3A_408 = vector.multi_reduction <maximumf>, %get3A_401, %reduce_max3A_407 [0] : vector<256x256xf32> to vector<256xf32>
    %broadcast_in_dim3A_409 = vector.shape_cast %reduce_max3A_408 : vector<256xf32> to vector<1x256xf32>
    %sub3A_410 = vector.broadcast %broadcast_in_dim3A_409 : vector<1x256xf32> to vector<256x256xf32>
    %sub3A_411 = arith.subf %get3A_401, %sub3A_410 : vector<256x256xf32>
    %exp3A_412 = math.exp %sub3A_411 : vector<256x256xf32>
    %reduce_sum3A_413 = arith.constant dense<0.000000e+00> : vector<256xf32>
    %reduce_sum3A_414 = vector.multi_reduction <add>, %exp3A_412, %reduce_sum3A_413 [0] : vector<256x256xf32> to vector<256xf32>
    %div3A_415 = arith.constant 1.000000e+00 : f32
    %div3A_416 = vector.broadcast %div3A_415 : f32 to vector<256xf32>
    %div3A_417 = arith.divf %div3A_416, %reduce_sum3A_414 : vector<256xf32>
    %swap3A_418 = arith.constant 6 : index
    %swap3A_419 = arith.constant 0 : index
    %swap3A_420 = arith.constant 0 : index
    %swap3A_421 = vector.load %arg4[%swap3A_418, %swap3A_419, %swap3A_420] : memref<8x1x256xf32, #tpu.memory_space<vmem>>, vector<1x1x256xf32>
    %swap3A_422 = vector.shape_cast %swap3A_421 : vector<1x1x256xf32> to vector<256xf32>
    %swap3A_423 = vector.shape_cast %div3A_417 : vector<256xf32> to vector<1x1x256xf32>
    tpu.vector_store %arg4[%swap3A_418, %swap3A_419, %swap3A_420], %swap3A_423 {strides = array<i32>} : memref<8x1x256xf32, #tpu.memory_space<vmem>>, vector<1x1x256xf32>,
    %broadcast_in_dim3A_424 = vector.shape_cast %reduce_max3A_408 : vector<256xf32> to vector<1x256xf32>
    %eq3A_425 = vector.broadcast %broadcast_in_dim3A_424 : vector<1x256xf32> to vector<256x256xf32>
    %eq3A_426 = arith.cmpf oeq, %get3A_401, %eq3A_425 : vector<256x256xf32>
    %jit3A_427 = arith.constant 256 : i32
    %broadcast_in_dim3A_428 = vector.broadcast %jit3A_427 : i32 to vector<256x256xi32>
    %select_n3A_429 = arith.select %eq3A_426, %iota3A, %broadcast_in_dim3A_428 : vector<256x256xi1>, vector<256x256xi32>
    %reduce_min3A_430 = arith.constant dense<2147483647> : vector<256xi32>
    %reduce_min3A_431 = vector.multi_reduction <minsi>, %select_n3A_429, %reduce_min3A_430 [0] : vector<256x256xi32> to vector<256xi32>
    %broadcast_in_dim3A_432 = vector.shape_cast %reduce_min3A_431 : vector<256xi32> to vector<1x256xi32>
    %eq3A_433 = vector.broadcast %broadcast_in_dim3A_432 : vector<1x256xi32> to vector<256x256xi32>
    %eq3A_434 = arith.cmpi eq, %iota3A, %eq3A_433 : vector<256x256xi32>
    %jit3A_435 = arith.constant -1 : i32
    %broadcast_in_dim3A_436 = vector.broadcast %jit3A_435 : i32 to vector<256x256xi32>
    %select_n3A_437 = arith.select %eq3A_434, %iota3A_0, %broadcast_in_dim3A_436 : vector<256x256xi1>, vector<256x256xi32>
    %reduce_max3A_438 = arith.constant dense<-2147483648> : vector<256xi32>
    %reduce_max3A_439 = vector.multi_reduction <maxsi>, %select_n3A_437, %reduce_max3A_438 [1] : vector<256x256xi32> to vector<256xi32>
    %broadcast_in_dim3A_440 = vector.shape_cast %reduce_max3A_439 : vector<256xi32> to vector<256x1xi32>
    %eq3A_441 = vector.broadcast %broadcast_in_dim3A_440 : vector<256x1xi32> to vector<256x256xi32>
    %eq3A_442 = arith.cmpi eq, %eq3A_441, %iota3A_0 : vector<256x256xi32>
    %convert_element_type3A_443 = arith.extui %eq3A_442 : vector<256x256xi1> to vector<256x256xi32>
    %convert_element_type3A_444 = arith.sitofp %convert_element_type3A_443 : vector<256x256xi32> to vector<256x256xf32>
    %slice3A_445 = vector.extract_strided_slice %convert_element_type3A_444 {offsets = [0, 0], sizes = [254, 256], strides = [1, 1]} : vector<256x256xf32> to vector<254x256xf32>
    %slice3A_446 = vector.extract_strided_slice %convert_element_type3A_444 {offsets = [1, 0], sizes = [254, 256], strides = [1, 1]} : vector<256x256xf32> to vector<254x256xf32>
    %add3A_447 = arith.addf %slice3A_445, %slice3A_446 : vector<254x256xf32>
    %slice3A_448 = vector.extract_strided_slice %convert_element_type3A_444 {offsets = [2, 0], sizes = [254, 256], strides = [1, 1]} : vector<256x256xf32> to vector<254x256xf32>
    %add3A_449 = arith.addf %add3A_447, %slice3A_448 : vector<254x256xf32>
    %mul3A_450 = arith.constant 0.333333343 : f32
    %mul3A_451 = vector.broadcast %mul3A_450 : f32 to vector<254x256xf32>
    %mul3A_452 = arith.mulf %add3A_449, %mul3A_451 : vector<254x256xf32>
    %slice3A_453 = vector.extract_strided_slice %convert_element_type3A_444 {offsets = [0, 0], sizes = [1, 256], strides = [1, 1]} : vector<256x256xf32> to vector<1x256xf32>
    %slice3A_454 = vector.extract_strided_slice %convert_element_type3A_444 {offsets = [255, 0], sizes = [1, 256], strides = [1, 1]} : vector<256x256xf32> to vector<1x256xf32>
    %concatenate3A_455 = tpu.concatenate %slice3A_453, %mul3A_452, %slice3A_454 in 0 : vector<1x256xf32>, vector<254x256xf32>, vector<1x256xf32> -> vector<256x256xf32>
    %convert_element_type3A_456 = arith.truncf %get3A_406 : vector<256x768xf32> to vector<256x768xbf16>
    %convert_element_type3A_457 = arith.truncf %concatenate3A_455 : vector<256x256xf32> to vector<256x256xbf16>
    %dot_general3A_458 = arith.constant dense<0.000000e+00> : vector<768x256xf32>
    %dot_general3A_459 = tpu.matmul %convert_element_type3A_456, %convert_element_type3A_457, %dot_general3A_458 {dimension_numbers = #tpu.dot_dimension_numbers<[0], [1], [1], [0], [0, 1, 1, 0], [], []>, transpose_lhs_hint = false} : vector<256x768xbf16>, vector<256x256xbf16>, vector<768x256xf32> -> vector<768x256xf32>
    %swap3A_460 = arith.constant 6 : index
    %swap3A_461 = arith.constant 0 : index
    %swap3A_462 = arith.constant 0 : index
    %swap3A_463 = vector.load %arg3[%swap3A_460, %swap3A_461, %swap3A_462] : memref<8x768x256xf32, #tpu.memory_space<vmem>>, vector<1x768x256xf32>
    %swap3A_464 = vector.shape_cast %swap3A_463 : vector<1x768x256xf32> to vector<768x256xf32>
    %swap3A_465 = vector.shape_cast %dot_general3A_459 : vector<768x256xf32> to vector<1x768x256xf32>
    tpu.vector_store %arg3[%swap3A_460, %swap3A_461, %swap3A_462], %swap3A_465 {strides = array<i32>} : memref<8x768x256xf32, #tpu.memory_space<vmem>>, vector<1x768x256xf32>,
    %get3A_466 = arith.constant 7 : index
    %get3A_467 = arith.constant 0 : index
    %get3A_468 = arith.constant 0 : index
    %get3A_469 = vector.load %arg2[%get3A_466, %get3A_467, %get3A_468] : memref<8x256x256xf32, #tpu.memory_space<vmem>>, vector<1x256x256xf32>
    %get3A_470 = vector.shape_cast %get3A_469 : vector<1x256x256xf32> to vector<256x256xf32>
    %get3A_471 = arith.constant 7 : index
    %get3A_472 = arith.constant 0 : index
    %get3A_473 = arith.constant 0 : index
    %get3A_474 = vector.load %arg1[%get3A_471, %get3A_472, %get3A_473] : memref<8x256x768xf32, #tpu.memory_space<vmem>>, vector<1x256x768xf32>
    %get3A_475 = vector.shape_cast %get3A_474 : vector<1x256x768xf32> to vector<256x768xf32>
    %reduce_max3A_476 = arith.constant dense<0xFF800000> : vector<256xf32>
    %reduce_max3A_477 = vector.multi_reduction <maximumf>, %get3A_470, %reduce_max3A_476 [0] : vector<256x256xf32> to vector<256xf32>
    %broadcast_in_dim3A_478 = vector.shape_cast %reduce_max3A_477 : vector<256xf32> to vector<1x256xf32>
    %sub3A_479 = vector.broadcast %broadcast_in_dim3A_478 : vector<1x256xf32> to vector<256x256xf32>
    %sub3A_480 = arith.subf %get3A_470, %sub3A_479 : vector<256x256xf32>
    %exp3A_481 = math.exp %sub3A_480 : vector<256x256xf32>
    %reduce_sum3A_482 = arith.constant dense<0.000000e+00> : vector<256xf32>
    %reduce_sum3A_483 = vector.multi_reduction <add>, %exp3A_481, %reduce_sum3A_482 [0] : vector<256x256xf32> to vector<256xf32>
    %div3A_484 = arith.constant 1.000000e+00 : f32
    %div3A_485 = vector.broadcast %div3A_484 : f32 to vector<256xf32>
    %div3A_486 = arith.divf %div3A_485, %reduce_sum3A_483 : vector<256xf32>
    %swap3A_487 = arith.constant 7 : index
    %swap3A_488 = arith.constant 0 : index
    %swap3A_489 = arith.constant 0 : index
    %swap3A_490 = vector.load %arg4[%swap3A_487, %swap3A_488, %swap3A_489] : memref<8x1x256xf32, #tpu.memory_space<vmem>>, vector<1x1x256xf32>
    %swap3A_491 = vector.shape_cast %swap3A_490 : vector<1x1x256xf32> to vector<256xf32>
    %swap3A_492 = vector.shape_cast %div3A_486 : vector<256xf32> to vector<1x1x256xf32>
    tpu.vector_store %arg4[%swap3A_487, %swap3A_488, %swap3A_489], %swap3A_492 {strides = array<i32>} : memref<8x1x256xf32, #tpu.memory_space<vmem>>, vector<1x1x256xf32>,
    %broadcast_in_dim3A_493 = vector.shape_cast %reduce_max3A_477 : vector<256xf32> to vector<1x256xf32>
    %eq3A_494 = vector.broadcast %broadcast_in_dim3A_493 : vector<1x256xf32> to vector<256x256xf32>
    %eq3A_495 = arith.cmpf oeq, %get3A_470, %eq3A_494 : vector<256x256xf32>
    %jit3A_496 = arith.constant 256 : i32
    %broadcast_in_dim3A_497 = vector.broadcast %jit3A_496 : i32 to vector<256x256xi32>
    %select_n3A_498 = arith.select %eq3A_495, %iota3A, %broadcast_in_dim3A_497 : vector<256x256xi1>, vector<256x256xi32>
    %reduce_min3A_499 = arith.constant dense<2147483647> : vector<256xi32>
    %reduce_min3A_500 = vector.multi_reduction <minsi>, %select_n3A_498, %reduce_min3A_499 [0] : vector<256x256xi32> to vector<256xi32>
    %broadcast_in_dim3A_501 = vector.shape_cast %reduce_min3A_500 : vector<256xi32> to vector<1x256xi32>
    %eq3A_502 = vector.broadcast %broadcast_in_dim3A_501 : vector<1x256xi32> to vector<256x256xi32>
    %eq3A_503 = arith.cmpi eq, %iota3A, %eq3A_502 : vector<256x256xi32>
    %jit3A_504 = arith.constant -1 : i32
    %broadcast_in_dim3A_505 = vector.broadcast %jit3A_504 : i32 to vector<256x256xi32>
    %select_n3A_506 = arith.select %eq3A_503, %iota3A_0, %broadcast_in_dim3A_505 : vector<256x256xi1>, vector<256x256xi32>
    %reduce_max3A_507 = arith.constant dense<-2147483648> : vector<256xi32>
    %reduce_max3A_508 = vector.multi_reduction <maxsi>, %select_n3A_506, %reduce_max3A_507 [1] : vector<256x256xi32> to vector<256xi32>
    %broadcast_in_dim3A_509 = vector.shape_cast %reduce_max3A_508 : vector<256xi32> to vector<256x1xi32>
    %eq3A_510 = vector.broadcast %broadcast_in_dim3A_509 : vector<256x1xi32> to vector<256x256xi32>
    %eq3A_511 = arith.cmpi eq, %eq3A_510, %iota3A_0 : vector<256x256xi32>
    %convert_element_type3A_512 = arith.extui %eq3A_511 : vector<256x256xi1> to vector<256x256xi32>
    %convert_element_type3A_513 = arith.sitofp %convert_element_type3A_512 : vector<256x256xi32> to vector<256x256xf32>
    %slice3A_514 = vector.extract_strided_slice %convert_element_type3A_513 {offsets = [0, 0], sizes = [254, 256], strides = [1, 1]} : vector<256x256xf32> to vector<254x256xf32>
    %slice3A_515 = vector.extract_strided_slice %convert_element_type3A_513 {offsets = [1, 0], sizes = [254, 256], strides = [1, 1]} : vector<256x256xf32> to vector<254x256xf32>
    %add3A_516 = arith.addf %slice3A_514, %slice3A_515 : vector<254x256xf32>
    %slice3A_517 = vector.extract_strided_slice %convert_element_type3A_513 {offsets = [2, 0], sizes = [254, 256], strides = [1, 1]} : vector<256x256xf32> to vector<254x256xf32>
    %add3A_518 = arith.addf %add3A_516, %slice3A_517 : vector<254x256xf32>
    %mul3A_519 = arith.constant 0.333333343 : f32
    %mul3A_520 = vector.broadcast %mul3A_519 : f32 to vector<254x256xf32>
    %mul3A_521 = arith.mulf %add3A_518, %mul3A_520 : vector<254x256xf32>
    %slice3A_522 = vector.extract_strided_slice %convert_element_type3A_513 {offsets = [0, 0], sizes = [1, 256], strides = [1, 1]} : vector<256x256xf32> to vector<1x256xf32>
    %slice3A_523 = vector.extract_strided_slice %convert_element_type3A_513 {offsets = [255, 0], sizes = [1, 256], strides = [1, 1]} : vector<256x256xf32> to vector<1x256xf32>
    %concatenate3A_524 = tpu.concatenate %slice3A_522, %mul3A_521, %slice3A_523 in 0 : vector<1x256xf32>, vector<254x256xf32>, vector<1x256xf32> -> vector<256x256xf32>
    %convert_element_type3A_525 = arith.truncf %get3A_475 : vector<256x768xf32> to vector<256x768xbf16>
    %convert_element_type3A_526 = arith.truncf %concatenate3A_524 : vector<256x256xf32> to vector<256x256xbf16>
    %dot_general3A_527 = arith.constant dense<0.000000e+00> : vector<768x256xf32>
    %dot_general3A_528 = tpu.matmul %convert_element_type3A_525, %convert_element_type3A_526, %dot_general3A_527 {dimension_numbers = #tpu.dot_dimension_numbers<[0], [1], [1], [0], [0, 1, 1, 0], [], []>, transpose_lhs_hint = false} : vector<256x768xbf16>, vector<256x256xbf16>, vector<768x256xf32> -> vector<768x256xf32>
    %swap3A_529 = arith.constant 7 : index
    %swap3A_530 = arith.constant 0 : index
    %swap3A_531 = arith.constant 0 : index
    %swap3A_532 = vector.load %arg3[%swap3A_529, %swap3A_530, %swap3A_531] : memref<8x768x256xf32, #tpu.memory_space<vmem>>, vector<1x768x256xf32>
    %swap3A_533 = vector.shape_cast %swap3A_532 : vector<1x768x256xf32> to vector<768x256xf32>
    %swap3A_534 = vector.shape_cast %dot_general3A_528 : vector<768x256xf32> to vector<1x768x256xf32>
    tpu.vector_store %arg3[%swap3A_529, %swap3A_530, %swap3A_531], %swap3A_534 {strides = array<i32>} : memref<8x768x256xf32, #tpu.memory_space<vmem>>, vector<1x768x256xf32>,
    return
  }
  func.func @transform_0(%arg0: i32) -> (i32, i32, i32) {
    %c0_i32 = arith.constant 0 : i32
    %c0_i32_0 = arith.constant 0 : i32
    %c0_i32_1 = arith.constant 0 : i32
    return %arg0, %c0_i32, %c0_i32_0 : i32, i32, i32
  }
  func.func @transform_1(%arg0: i32) -> (i32, i32, i32) {
    %c0_i32 = arith.constant 0 : i32
    %c0_i32_0 = arith.constant 0 : i32
    %c0_i32_1 = arith.constant 0 : i32
    return %arg0, %c0_i32, %c0_i32_0 : i32, i32, i32
  }
  func.func @transform_2(%arg0: i32) -> (i32, i32, i32) {
    %c0_i32 = arith.constant 0 : i32
    %c0_i32_0 = arith.constant 0 : i32
    %c0_i32_1 = arith.constant 0 : i32
    return %arg0, %c0_i32, %c0_i32_0 : i32, i32, i32
  }
  func.func @transform_3(%arg0: i32) -> (i32, i32, i32) {
    %c0_i32 = arith.constant 0 : i32
    %c0_i32_0 = arith.constant 0 : i32
    %c0_i32_1 = arith.constant 0 : i32
    return %arg0, %c0_i32, %c0_i32_0 : i32, i32, i32
  }
}

</mosaic_0001>

<sc_bundles>
// kernel: kernel.4.cloned.1.call-start
scs
__scs_entry_jumppad:
0x0: {  	(pc) =	sbr.rel $0x88, $3  }
0x1: {  	(tag) =	ssettag $0x0;
	lr =	simm.s32 $0x1  }
0x2: {  	[smem:$0x3F9F] =	sst lr;
	_ =	strace $0xD0000000  }
0x3: {  	_ = 	snop  }
0x4: {  	_ = 	snop  }
0x5: {  	_ = 	snop  }
0x6: {  	_ = 	snop  }
0x7: {  	_ = 	snop  }
__scs_overlays_trampoline_lowered:
0x8: {  	[smem:$0x3FAE] =	sst s0  }
0x9: {  	[smem:$0x3FAF] =	sst s1  }
0xa: {  	[smem:$0x3FB0] =	sst s2  }
0xb: {  	[smem:$0x3FB1] =	sst s3  }
0xc: {  	[smem:$0x3FB2] =	sst s4  }
0xd: {  	[smem:$0x3FB3] =	sst s5  }
0xe: {  	[smem:$0x3FB4] =	sst s6  }
0xf: {  	[smem:$0x3FB5] =	sst s7  }
0x10: {  	[smem:$0x3FB6] =	sst s8  }
0x11: {  	[smem:$0x3FB7] =	sst s9;
	s0 =	simm.s32 @!p0 $0x0  }
0x12: {  	s1 =	sld [smem:$0x3F9D];
	s0 =	simm.s32 @p0 $0x1  }
0x13: {  	[smem:$0x3FB8] =	sst s0;
	s0 =	simm.s32 @!p1 $0x0  }
0x14: {  	s2 =	sld [smem:$0x3F9C];
	s0 =	simm.s32 @p1 $0x1  }
0x15: {  	[smem:$0x3FB9] =	sst s0;
	s0 =	simm.s32 @!p2 $0x0  }
0x16: {  	s3 =	sld [smem:$0x3FDB];
	s0 =	simm.s32 @p2 $0x1  }
0x17: {  	s4 =	simm.s32 $0x1BF5;
	[smem:$0x3FBB] =	sst s0  }
0x18: {  	s0 =	sld [smem:$0x3F9E];
	_ =	swait.ge [sflag:s4], $0x0  }
0x19: {  	s7 =	sld [smem:$0x3F9F]  }
0x1a: {  	s8 =	sadd.s32 $0xFFFFE003, lr  }
0x1b: {  	s9 =	sadd.s32 $0xFFFFFEF7, lr;
	s5 =	simm.s32 $0xFFFFFFFF;
	p2 =	slt.u32 s8, $0xFFFFF086  }
0x1c: {  	p1 =	slt.u32 s9, $0xF7A;
	s5 =	simm.s32 @!p2 $0x0  }
0x1d: {  	s5 =	simm.s32 @p1 $0x1;
	p0 =	seq.s32 s7, s2  }
0x1e: {  	s7 =	smul.u32 @!p0 $0xF7A, s2;
	p2 =	seq.s32 @!p0 s5, $0x0  }
0x1f: {  	s9 =	smul.u32 $0xF7A, s1;
	s8 =	simm.s32 @!p0 $0x1BF5;
	p2 =	por !p2, p0  }
0x20: {  	[sflag:s8] =	ssyncset.s32 @!p0 $0xFFFFF086;
	s6 =	sadd.s32 @!p0 s3, s7;
	s7 =	simm.s32 @!p0 $0x108  }
0x21: {  	s3 =	sadd.s32 s3, s9;
	s6 =	sadd.s32 @!p0 $0x88, s6;
	s7 =	simm.s32 @p2 $0x1082  }
0x22: {  	[simem:s7], [sflag:s8] =	dma.local @!p0 [hbm:s6], $0xF7A  }
0x23: {  	s9 =	sor.u32 $0xD0000000, s2;
	s6 =	simm.s32 $0x108;
	_ =	swait.ge @!p0 [sflag:s8], $0x0  }
0x24: {  	s3 =	sadd.s32 $0x88, s3;
	s6 =	simm.s32 @!p1 $0x1082;
	[sflag:s4] =	ssyncset.s32 $0xFFFFF086  }
0x25: {  	[simem:s6], [sflag:s4] =	dma.local [hbm:s3], $0xF7A  }
0x26: {  	[smem:$0x3F9F] =	sst s1;
	(tag) =	ssettag s2;
	_ =	strace s9  }
0x27: {  	s1 =	sld [smem:$0x3FAF]  }
0x28: {  	s2 =	sld [smem:$0x3FB0]  }
0x29: {  	s4 =	sld [smem:$0x3FB2]  }
0x2a: {  	p0 =	seq.s32 s5, $0x0;
	s5 =	sld [smem:$0x3FB3]  }
0x2b: {  	s6 =	sld [smem:$0x3FB4]  }
0x2c: {  	s7 =	sld [smem:$0x3FB5]  }
0x2d: {  	s3 =	simm.s32 $0x108;
	s8 =	sld [smem:$0x3FB6]  }
0x2e: {  	s3 =	simm.s32 @!p0 $0x1082;
	s9 =	sld [smem:$0x3FB7]  }
0x2f: {  	lr =	sadd.s32 s0, s3;
	s0 =	sld [smem:$0x3FAE]  }
0x30: {  	s3 =	sld [smem:$0x3FB1]  }
0x31: {  	[smem:$0x3FBA] =	sst s10  }
0x32: {  	s10 =	sld [smem:$0x3FB8];
	_ =	sdelay $0x3  }
0x33: {  	p0 =	seq.s32 s10, $0x1;
	s10 =	sld [smem:$0x3FBA];
	_ =	sdelay $0x3  }
0x34: {  	[smem:$0x3FBA] =	sst s10  }
0x35: {  	s10 =	sld [smem:$0x3FB9];
	_ =	sdelay $0x3  }
0x36: {  	p1 =	seq.s32 s10, $0x1;
	s10 =	sld [smem:$0x3FBA];
	_ =	sdelay $0x3  }
0x37: {  	[smem:$0x3FBA] =	sst s10  }
0x38: {  	s10 =	sld [smem:$0x3FBB]  }
0x39: {  	_ = 	snop;
	(pc) =	sbr.ind lr, $3  }
0x3a: {  	_ = 	snop  }
0x3b: {  	_ = 	snop  }
0x3c: {  	p2 =	seq.s32 s10, $0x1;
	s10 =	sld [smem:$0x3FBA]  }
0x3d: {  	_ =	shalt  }
0x3e: {  	_ =	shalt  }
0x3f: {  	_ =	shalt  }
0x40: {  	_ =	shalt  }
0x41: {  	_ =	shalt  }
0x42: {  	_ =	shalt  }
0x43: {  	_ =	shalt  }
0x44: {  	_ =	shalt  }
0x45: {  	_ =	shalt  }
0x46: {  	_ =	shalt  }
0x47: {  	_ =	shalt  }
0x48: {  	_ =	shalt  }
0x49: {  	_ =	shalt  }
0x4a: {  	_ =	shalt  }
0x4b: {  	_ =	shalt  }
0x4c: {  	_ =	shalt  }
0x4d: {  	_ =	shalt  }
0x4e: {  	_ =	shalt  }
0x4f: {  	_ =	shalt  }
0x50: {  	_ =	shalt  }
0x51: {  	_ =	shalt  }
0x52: {  	_ =	shalt  }
0x53: {  	_ =	shalt  }
0x54: {  	_ =	shalt  }
0x55: {  	_ =	shalt  }
0x56: {  	_ =	shalt  }
0x57: {  	_ =	shalt  }
0x58: {  	_ =	shalt  }
0x59: {  	_ =	shalt  }
0x5a: {  	_ =	shalt  }
0x5b: {  	_ =	shalt  }
0x5c: {  	_ =	shalt  }
0x5d: {  	_ =	shalt  }
0x5e: {  	_ =	shalt  }
0x5f: {  	_ =	shalt  }
0x60: {  	_ =	shalt  }
0x61: {  	_ =	shalt  }
0x62: {  	_ =	shalt  }
0x63: {  	_ =	shalt  }
0x64: {  	_ =	shalt  }
0x65: {  	_ =	shalt  }
0x66: {  	_ =	shalt  }
0x67: {  	_ =	shalt  }
0x68: {  	_ =	shalt  }
0x69: {  	_ =	shalt  }
0x6a: {  	_ =	shalt  }
0x6b: {  	_ =	shalt  }
0x6c: {  	_ =	shalt  }
0x6d: {  	_ =	shalt  }
0x6e: {  	_ =	shalt  }
0x6f: {  	_ =	shalt  }
0x70: {  	_ =	shalt  }
0x71: {  	_ =	shalt  }
0x72: {  	_ =	shalt  }
0x73: {  	_ =	shalt  }
0x74: {  	_ =	shalt  }
0x75: {  	_ =	shalt  }
0x76: {  	_ =	shalt  }
0x77: {  	_ =	shalt  }
0x78: {  	_ =	shalt  }
0x79: {  	_ =	shalt  }
0x7a: {  	_ =	shalt  }
0x7b: {  	_ =	shalt  }
0x7c: {  	_ =	shalt  }
0x7d: {  	_ =	shalt  }
0x7e: {  	_ =	shalt  }
0x7f: {  	_ =	shalt  }
0x80: {  	_ =	shalt  }
0x81: {  	_ =	shalt  }
0x82: {  	_ =	shalt  }
0x83: {  	_ =	shalt  }
0x84: {  	_ =	shalt  }
0x85: {  	_ =	shalt  }
0x86: {  	_ =	shalt  }
0x87: {  	_ =	shalt  }
.Lfunc_end0:
.L_simem_size_0:
called_computation_lowered:
.L_overlay_start_0:
0x88: {  	s2 =	sld [smem:$0x3FD9]  }
0x89: {  	s3 =	sld [smem:$0x3FFE];
	_ =	sdelay $0x1  }
0x8a: {  	s1 =	srdreg.scid  }
0x8b: {  	s0 =	sand.u32 $0x1, s1  }
0x8c: {  	s17 =	sshll.u32 s0, $0xA;
	s2 =	sadd.s32 s3, s2  }
0x8d: {  	s2 =	sadd.s32 s2, s17  }
0x8e: {  	[smem:$0x3FC6] =	sst s2  }
0x8f: {  	_ = 	snop  }
0x90: {  	s2 =	sld [smem:$0x3FC8];
	(tm) =	ssettm $0x1  }
0x91: {  	s18 =	sld [smem:$0x3FFB];
	_ =	sdelay $0x3  }
0x92: {  	_ =	strace s18  }
0x93: {  	s3 =	sld [smem:$0x3FFC];
	_ =	sdelay $0x3  }
0x94: {  	_ =	strace s3  }
0x95: {  	s3 =	sld [smem:$0x3FFD];
	_ =	sdelay $0x3  }
0x96: {  	_ =	strace s3  }
0x97: {  	_ =	strace $0x8FFFFFFF  }
0x98: {  	s19 =	sld [smem:$0x3FDB];
	_ =	sdelay $0x1  }
0x99: {  	s4 =	simm.s32 $_scs_section_size  }
0x9a: {  	s5 =	simm.s32 $_size__tile_overlayer_lowered;
	s6 =	simm.s32 $_tile_overlayer_lowered  }
0x9b: {  	s22 =	simm.s32 $0x1BFF;
	s21 =	sshll.u32 s6, $0x1;
	s3 =	sadd.s32 s4, s19  }
0x9c: {  	s7 =	simm.s32 $0x0;
	s20 =	sshll.u32 s5, $0x1;
	s5 =	sadd.s32 s21, s3  }
0x9d: {  	[timem:s7], [sflag:s22] =	dma.local [hbm:s5], s20  }
0x9e: {  	_ =	swait.ge [sflag:s22], s20  }
0x9f: {  	s4 =	ssub.s32 $0x0, s20;
	[sflag:s22] =	ssyncset.done $0x0  }
0xa0: {  	[sflag:s22] =	ssyncadd.s32 s4;
	_ =	sdelay $0x1  }
0xa1: {  	s23 =	simm.s32 $0x1B8B  }
0xa2: {  	_ =	swait.ge [sflag:s23], $0x1  }
0xa3: {  	[sflag:s23] =	ssyncset.done $0x0  }
0xa4: {  	s25 =	simm.s32 $0x1B8E;
	s24 =	sld [smem:$0x3FFE];
	[sflag:s23] =	ssyncadd.s32 $0xFFFFFFFF  }
0xa5: {  	s26 =	simm.s32 $execute0_lowered;
	[smem:$0x3FD2] =	sst s25  }
0xa6: {  	s5 =	sshll.u32 s26, $0x1;
	_ =	strace $0x80000046;
	[dreg:$0x1] =	wrdreg $0xFFFFFFFF  }
0xa7: {  	s28 =	simm.s32 $_size_execute0_lowered;
	s3 =	sadd.s32 s3, s5;
	[dreg:$0x0] =	wrdreg $0x0  }
0xa8: {  	s5 =	sshll.u32 s28, $0x1;
	[dreg:$0x2] =	wrdreg s3  }
0xa9: {  	[dreg:$0x3] =	wrdreg s5  }
0xaa: {  	[dreg:$0x4] =	wrdreg $0xC0  }
0xab: {  	_ =	task [dreg:s7], $0x5FFFF  }
0xac: {  	[dreg:$0x1] =	wrdreg $0xFFFFFFFF  }
0xad: {  	[dreg:$0x0] =	wrdreg $0x60  }
0xae: {  	[dreg:$0x2] =	wrdreg s2  }
0xaf: {  	[dreg:$0x3] =	wrdreg s24  }
0xb0: {  	[dreg:$0x4] =	wrdreg $0x9  }
0xb1: {  	_ =	task.clear_ibuf [dreg:s7], $0x5FFFF;
	_ =	strace $0x90000046  }
0xb2: {  	s29 =	simm.s32 $0x9;
	_ =	strace $0x80000048  }
0xb3: {  	_ =	swait.ge [sflag:s29], $0x1  }
0xb4: {  	[sflag:s29] =	ssyncadd.s32 $0xFFFFFFFF  }
0xb5: {  	_ =	strace $0x90000048  }
0xb6: {  	_ =	sfence  }
0xb7: {  	s30 =	sld [smem:$0x0];
	_ =	sdelay $0x2  }
0xb8: {  	s31 =	sshll.u32 s1, $0xD;
	s1 =	sshrl.u32 s1, $0x2  }
0xb9: {  	s3 =	sand.u32 $0x4000, s31;
	s1 =	sadd.s32 s1, s30  }
0xba: {  	s0 =	sor.u32 s3, s0;
	s1 =	sshll.u32 s1, $0x11  }
0xbb: {  	s0 =	sor.u32 s1, s0  }
0xbc: {  	s0 =	sadd.s32 $0x8F2B, s0  }
0xbd: {  	[sflag:s0] =	ssyncadd.remote.s32 $0x1  }
0xbe: {  	_ =	sfence.sel $0xFFFF  }
0xbf: {  	[dreg:$0x0] =	wrdreg $0xFFFFFFFF;
	(pc) =	sbr.abs _section_cstart, $3  }
0xc0: {  	[dreg:$0x1] =	wrdreg $0xFFFFFFFF  }
0xc1: {  	_ =	task.clear_ibuf [dreg:s7], $0x2FFFF;
	_ =	strace $0x9FFFFFFF  }
0xc2: {  	(tm) =	ssettm $0x7FFFFFFF  }
0xc3: {  	_ =	shalt  }
tec
execute0_lowered:
.L_overlay_start_1:
0x0: {  	(tag) =	ssettag $0x1  }
0x1: {  	s5 =	rddreg [dreg:$0x0]  }
0x2: {  	s3 =	rddreg [dreg:$0x1]  }
0x3: {  	s0 =	rddreg [dreg:$0x2]  }
0x4: {  	s2 =	simm.s32 $0x0;
	s4 =	srdreg.scid;
	s1 =	stileid.u32  }
0x5: {  	s11 =	simm.s32 $0x10000;
	s12 =	simm.s32 $0x0;
	[smem:$0x7FF] =	sst s2  }
0x6: {  	s4 =	sand.u32 $0x1, s4;
	s7 =	sshll.u32 s1, $0x2;
	s8 =	sadd.s32 $0x600, s3  }
0x7: {  	s9 =	sshll.u32 s1, $0xA;
	s6 =	ssub.s32 $0x2, s4;
	s4 =	sshll.u32 s4, $0x1  }
0x8: {  	_ =	strace $0x80000047;
	s28 =	sshrl.u32 s6, $0x1;
	s4 =	sor.u32 s4, s7  }
0x9: {  	s9 =	sand.u32 $0x3800, s9;
	s29 =	ssub.s32 s6, s28;
	s31 =	sor.u32 $0x1, s4  }
0xa: {  	s30 =	sshll.u32 s4, $0xD;
	s4 =	sshll.u32 s4, $0x7;
	s10 =	sshll.u32 s31, $0x7  }
0xb: {  	s4 =	sand.u32 $0x300, s4;
	s3 =	sadd.s32 s5, s30;
	s6 =	sshll.u32 s31, $0xD  }
0xc: {  	s7 =	smax.u32 s29, $0x1;
	s10 =	sand.u32 $0x380, s10;
	s4 =	sor.u32 s9, s4  }
0xd: {  	s5 =	sadd.s32 s5, s6;
	s9 =	sor.u32 s9, s10;
	s4 =	sshrl.u32 s4, $0x3  }
0xe: {  	s10 =	simm.s32 $0x400;
	s9 =	sshrl.u32 s9, $0x3;
	s4 =	sadd.s32 s8, s4  }
0xf: {  	s6 =	sadd.s32 s8, s9;
	s8 =	simm.s32 $0x1;
	s9 =	simm.s32 $0x80  }
.LBB2_1:
0x10: {  	[tilespmem:s2], [sflag:$0x1] =	stream.linear.gather [hbm4b:s3+s2], $0x10000, $0x38;
	[tilespmem:$0x10100] =	vst v63  }
0x11: {  	_ =	swait.ge [sflag:s8], $0x10000  }
0x12: {  	s13 =	sand.u32 $0xF800, s2;
	s14 =	sand.u32 $0x380, s2;
	[sflag:s8] =	ssyncset.done $0x0  }
0x13: {  	s13 =	sor.u32 s14, s13;
	[sflag:s8] =	ssyncadd.s32 $0xFFFF0000  }
0x14: {  	v0 =	vld [tilespmem:s13+$0x470]  }
0x15: {  	v1 =	vld [tilespmem:s13+$0x0]  }
0x16: {  	v5 =	vld [tilespmem:s13+$0x10]  }
0x17: {  	v6 =	vld [tilespmem:s13+$0x20]  }
0x18: {  	v7 =	vld [tilespmem:s13+$0x30]  }
0x19: {  	v8 =	vld [tilespmem:s13+$0x40]  }
0x1a: {  	v9 =	vld [tilespmem:s13+$0x50]  }
0x1b: {  	v10 =	vld [tilespmem:s13+$0x60]  }
0x1c: {  	v11 =	vld [tilespmem:s13+$0x70]  }
0x1d: {  	v3 =	vimm.f32 $-Inf;
	v12 =	vld [tilespmem:s13+$0x400]  }
0x1e: {  	v14 =	vimm.f32 $-Inf;
	v15 =	vimm.f32 $-Inf;
	v13 =	vimm.f32 $-Inf;
	v16 =	vld [tilespmem:s13+$0x410]  }
0x1f: {  	v17 =	vld [tilespmem:s13+$0x420];
	v2 =	vmax.f32 v3, v0;
	v4 =	vmax.f32 v3, v1;
	v0 =	vmax.f32 v3, v5  }
0x20: {  	v18 =	vld [tilespmem:s13+$0x430];
	v6 =	vmax.f32 v3, v6;
	v7 =	vmax.f32 v3, v7;
	v1 =	vmax.f32 v3, v8  }
0x21: {  	s15 =	simm.s32 $0x100;
	s14 =	simm.s32 $0x80;
	v19 =	vld [tilespmem:s13+$0x440];
	v8 =	vmax.f32 v3, v9;
	v9 =	vmax.f32 v3, v10;
	v10 =	vmax.f32 v3, v11  }
0x22: {  	s16 =	sand.u32 $0xF800, s15;
	s15 =	simm.s32 $0x200;
	s17 =	sand.u32 $0x380, s14;
	v20 =	vld [tilespmem:s13+$0x450];
	v11 =	vmax.f32 v3, v12;
	v12 =	vimm.f32 $-Inf;
	v5 =	vimm.f32 $-Inf  }
.LBB2_2:
0x23: {  	p0 =	sne.s32 s15, $0xFF00;
	v3 =	vmax.f32 v3, v16;
	v16 =	vld [tilespmem:s13+$0x460];
	s13 =	sor.u32 s17, s16  }
0x24: {  	v21 =	vld [tilespmem:s13+$0x470];
	v12 =	vmax.f32 v12, v17  }
0x25: {  	v17 =	vld [tilespmem:s13+$0x0];
	v5 =	vmax.f32 v5, v18  }
0x26: {  	v18 =	vld [tilespmem:s13+$0x10];
	v14 =	vmax.f32 v14, v19  }
0x27: {  	v19 =	vld [tilespmem:s13+$0x20];
	v15 =	vmax.f32 v15, v20  }
0x28: {  	v20 =	vld [tilespmem:s13+$0x30];
	v13 =	vmax.f32 v13, v16  }
0x29: {  	v16 =	vld [tilespmem:s13+$0x40];
	v2 =	vmax.f32 v2, v21  }
0x2a: {  	v4 =	vmax.f32 v4, v17;
	v17 =	vld [tilespmem:s13+$0x50]  }
0x2b: {  	v0 =	vmax.f32 v0, v18;
	v18 =	vld [tilespmem:s13+$0x60]  }
0x2c: {  	v6 =	vmax.f32 v6, v19;
	v19 =	vld [tilespmem:s13+$0x70]  }
0x2d: {  	v7 =	vmax.f32 v7, v20;
	v20 =	vld [tilespmem:s13+$0x400]  }
.Ltmp0:
0x2e: {  	v1 =	vmax.f32 v1, v16;
	v16 =	vld [tilespmem:s13+$0x410];
	(pc) =	sbr.rel @p0 .LBB2_2-.Ltmp0, $4  }
0x2f: {  	v8 =	vmax.f32 v8, v17;
	v17 =	vld [tilespmem:s13+$0x420]  }
0x30: {  	v9 =	vmax.f32 v9, v18;
	v18 =	vld [tilespmem:s13+$0x430]  }
0x31: {  	s14 =	sadd.s32 $0x80, s14;
	v10 =	vmax.f32 v10, v19;
	v19 =	vld [tilespmem:s13+$0x440]  }
0x32: {  	s16 =	sand.u32 $0xF800, s15;
	s15 =	sadd.s32 $0x100, s15;
	s17 =	sand.u32 $0x380, s14;
	v11 =	vmax.f32 v11, v20;
	v20 =	vld [tilespmem:s13+$0x450]  }
0x33: {  	s14 =	sor.u32 s17, s16;
	v21 =	vld [tilespmem:s13+$0x460]  }
0x34: {  	v22 =	vld [tilespmem:s14+$0x470]  }
0x35: {  	v23 =	vld [tilespmem:s14+$0x0]  }
0x36: {  	v24 =	vld [tilespmem:s14+$0x10]  }
0x37: {  	v25 =	vld [tilespmem:s14+$0x20]  }
0x38: {  	v26 =	vld [tilespmem:s14+$0x30]  }
0x39: {  	v27 =	vld [tilespmem:s14+$0x40]  }
0x3a: {  	v28 =	vld [tilespmem:s14+$0x50]  }
0x3b: {  	v29 =	vld [tilespmem:s14+$0x60]  }
0x3c: {  	v30 =	vld [tilespmem:s14+$0x70]  }
0x3d: {  	v31 =	vld [tilespmem:s14+$0x400]  }
0x3e: {  	v32 =	vld [tilespmem:s14+$0x410]  }
0x3f: {  	v33 =	vld [tilespmem:s14+$0x420]  }
0x40: {  	v34 =	vld [tilespmem:s14+$0x430]  }
0x41: {  	s28 =	simm.s32 $0x0;
	v35 =	vld [tilespmem:s14+$0x440]  }
0x42: {  	v36 =	vld [tilespmem:s14+$0x450];
	s15 =	sand.u32 $0xF800, s28;
	s13 =	sand.u32 $0x380, s28  }
0x43: {  	v37 =	vld [tilespmem:s14+$0x460];
	s13 =	sor.u32 s13, s15  }
0x44: {  	s29 =	simm.s32 $0x100;
	s30 =	simm.s32 $0x80;
	v38 =	vld [tilespmem:s13+$0x20]  }
0x45: {  	v12 =	vmax.f32 v12, v17;
	s14 =	sand.u32 $0xF800, s29;
	s15 =	sand.u32 $0x380, s30;
	v17 =	vld [tilespmem:s13+$0x70]  }
0x46: {  	v14 =	vmax.f32 v14, v19;
	v19 =	vld [tilespmem:s13+$0x440];
	s31 =	sor.u32 s15, s14  }
0x47: {  	v62 =	vld [tilespmem:s31+$0x420]  }
0x48: {  	v63 =	vld [tilespmem:s31+$0x40]  }
0x49: {  	v16 =	vmax.f32 v3, v16;
	v15 =	vmax.f32 v15, v20;
	v20 =	vmax.f32 v13, v21;
	v21 =	vld [tilespmem:s13+$0x60]  }
0x4a: {  	v18 =	vmax.f32 v5, v18;
	v3 =	vmax.f32 v2, v22;
	v4 =	vmax.f32 v4, v23;
	v2 =	vld [tilespmem:s13+$0x10]  }
0x4b: {  	v5 =	vmax.f32 v0, v24;
	v6 =	vmax.f32 v6, v25;
	v0 =	vmax.f32 v7, v26;
	v22 =	vld [tilespmem:s13+$0x420]  }
0x4c: {  	v7 =	vmax.f32 v1, v27;
	v1 =	vmax.f32 v11, v31;
	v11 =	vmax.f32 v16, v32;
	v16 =	vld [tilespmem:s13+$0x450]  }
0x4d: {  	v8 =	vmax.f32 v8, v28;
	v9 =	vmax.f32 v9, v29;
	v10 =	vmax.f32 v10, v30;
	v24 =	vld [tilespmem:s13+$0x470]  }
0x4e: {  	v13 =	vmax.f32 v14, v35;
	v14 =	vmax.f32 v15, v36;
	v15 =	vld [tilespmem:s13+$0x0];
	v23 =	vsub.f32 v38, v6  }
0x4f: {  	v12 =	vmax.f32 v12, v33;
	v17 =	vsub.f32 v17, v10;
	v19 =	vsub.f32 v19, v13  }
0x50: {  	v42 =	vld [tilespmem:s31+$0x50];
	v33 =	vsub.f32 v62, v12;
	v41 =	vsub.f32 v63, v7;
	v23 =	vmul.f32 $1.442695020e+00, v23  }
0x51: {  	v25 =	vld [tilespmem:s13+$0x430];
	v17 =	vmul.f32 $1.442695020e+00, v17;
	v21 =	vsub.f32 v21, v9;
	v2 =	vsub.f32 v2, v5  }
0x52: {  	v45 =	vld [tilespmem:s31+$0x430];
	v19 =	vmul.f32 $1.442695020e+00, v19;
	v22 =	vsub.f32 v22, v12;
	v16 =	vsub.f32 v16, v14  }
0x53: {  	v26 =	vld [tilespmem:s13+$0x410];
	v24 =	vsub.f32 v24, v3;
	v15 =	vsub.f32 v15, v4;
	(erf) = vpow2.f32 v17  }
0x54: {  	v27 =	vld [tilespmem:s13+$0x460];
	v21 =	vmul.f32 $1.442695020e+00, v21;
	v17 =	vmax.f32 v18, v34;
	v34 =	vmul.f32 $1.442695020e+00, v33  }
0x55: {  	v33 =	vsub.f32 v42, v8;
	v2 =	vmul.f32 $1.442695020e+00, v2;
	v18 =	vmul.f32 $1.442695020e+00, v22;
	v22 =	vld [tilespmem:s13+$0x400]  }
0x56: {  	v28 =	vld [tilespmem:s13+$0x30];
	v16 =	vmul.f32 $1.442695020e+00, v16;
	v25 =	vsub.f32 v25, v17;
	(erf) = vpow2.f32 v21  }
0x57: {  	v48 =	vsub.f32 v45, v17;
	v21 =	vld [tilespmem:s13+$0x40];
	(erf) = vpow2.f32 v19;
	v19 =	vmax.f32 v20, v37  }
0x58: {  	v20 =	vmul.f32 $1.442695020e+00, v24;
	v24 =	vmul.f32 $1.442695020e+00, v15;
	v15 =	vsub.f32 v26, v11;
	v26 =	vld [tilespmem:s31+$0x20]  }
0x59: {  	v25 =	vmul.f32 $1.442695020e+00, v25;
	(erf) = vpow2.f32 v23;
	v23 =	vld [tilespmem:s13+$0x50];
	v27 =	vsub.f32 v27, v19  }
0x5a: {  	v29 =	vld [tilespmem:s31+$0x70];
	(erf) = vpow2.f32 v2;
	v2 =	vsub.f32 v22, v1;
	v22 =	vmul.f32 $1.442695020e+00, v15  }
0x5b: {  	(erf) = vpow2.f32 v25;
	v15 =	vsub.f32 v28, v0;
	v25 =	vmul.f32 $1.442695020e+00, v27;
	v27 =	vld [tilespmem:s31+$0x10]  }
0x5c: {  	v21 =	vsub.f32 v21, v7;
	(erf) = vpow2.f32 v20;
	v28 =	vmul.f32 $1.442695020e+00, v2  }
0x5d: {  	v31 =	vld [tilespmem:s31+$0x440];
	v2 =	vimm.f32 $0.0e+00;
	v20 =	vmul.f32 $1.442695020e+00, v15;
	(erf) = vpow2.f32 v16  }
0x5e: {  	v30 =	vsub.f32 v23, v8;
	(erf) = vpow2.f32 v18;
	v18 =	vsub.f32 v26, v6  }
0x5f: {  	v21 =	vmul.f32 $1.442695020e+00, v21;
	v26 =	vld [tilespmem:s31+$0x450];
	v15 =	vpop (erf);
	(erf) = vpow2.f32 v22;
	v22 =	vsub.f32 v29, v10  }
0x60: {  	v16 =	vpop (erf);
	(erf) = vpow2.f32 v25;
	v25 =	vsub.f32 v27, v5;
	v32 =	vmul.f32 $1.442695020e+00, v18  }
0x61: {  	v15 =	vadd.f32 v15, v2;
	v27 =	vld [tilespmem:s31+$0x60];
	v29 =	vpop (erf);
	(erf) = vpow2.f32 v24;
	v22 =	vmul.f32 $1.442695020e+00, v22  }
0x62: {  	v18 =	vpop (erf);
	(erf) = vpow2.f32 v28;
	v36 =	vmul.f32 $1.442695020e+00, v25;
	v25 =	vsub.f32 v31, v13;
	v31 =	vld [tilespmem:s31+$0x0]  }
0x63: {  	v16 =	vadd.f32 v16, v2;
	v28 =	vld [tilespmem:s31+$0x470];
	v23 =	vadd.f32 v18, v2;
	(erf) = vpow2.f32 v20  }
0x64: {  	v18 =	vpop (erf);
	v26 =	vsub.f32 v26, v14;
	v20 =	vadd.f32 v29, v2;
	v29 =	vld [tilespmem:s31+$0x410];
	(erf) = vpow2.f32 v22  }
0x65: {  	v24 =	vadd.f32 v18, v2;
	v18 =	vpop (erf);
	v22 =	vmul.f32 $1.442695020e+00, v30;
	v44 =	vmul.f32 $1.442695020e+00, v25  }
0x66: {  	v18 =	vadd.f32 v18, v2;
	v30 =	vpop (erf);
	(erf) = vpow2.f32 v21;
	v27 =	vsub.f32 v27, v9  }
0x67: {  	v39 =	vmul.f32 $1.442695020e+00, v26;
	v21 =	vpop (erf);
	(erf) = vpow2.f32 v22;
	v26 =	vsub.f32 v31, v4  }
0x68: {  	v35 =	vpop (erf);
	v22 =	vsub.f32 v28, v3;
	v21 =	vadd.f32 v21, v2;
	v27 =	vmul.f32 $1.442695020e+00, v27  }
0x69: {  	v28 =	vimm.f32 $0.0e+00;
	v31 =	vimm.f32 $0.0e+00;
	v25 =	vpop (erf);
	v47 =	vsub.f32 v29, v11  }
0x6a: {  	v46 =	vld [tilespmem:s31+$0x460];
	v29 =	vimm.f32 $0.0e+00;
	v25 =	vadd.f32 v25, v2;
	v43 =	vmul.f32 $1.442695020e+00, v22;
	v38 =	vpop (erf)  }
0x6b: {  	v45 =	vld [tilespmem:s31+$0x400];
	v22 =	vadd.f32 v30, v2;
	v40 =	vmul.f32 $1.442695020e+00, v26;
	(erf) = vpow2.f32 v27;
	v26 =	vpop (erf)  }
0x6c: {  	s16 =	simm.s32 $0x200;
	v37 =	vld [tilespmem:s31+$0x30];
	s13 =	simm.s32 $0x100;
	v27 =	vimm.f32 $0.0e+00;
	v30 =	vadd.f32 v26, v2;
	v26 =	vimm.f32 $0.0e+00;
	v42 =	vpop (erf)  }
.LBB2_4:
0x6d: {  	s14 =	smov.u32 s16  }
0x6e: {  	s15 =	sand.u32 $0xF800, s16;
	s17 =	sand.u32 $0x380, s13;
	v48 =	vmul.f32 $1.442695020e+00, v48;
	(erf) = vpow2.f32 v44;
	v2 =	vadd.f32 v38, v2;
	v38 =	vpop (erf);
	s14 =	sadd.s32 $0x100, s16  }
0x6f: {  	p0 =	sne.s32 s16, $0xFF00;
	v26 =	vadd.f32 v35, v26;
	s15 =	sor.u32 s17, s15;
	v28 =	vadd.f32 v38, v28;
	(erf) = vpow2.f32 v32;
	v32 =	vpop (erf)  }
0x70: {  	v38 =	vmul.f32 $1.442695020e+00, v47;
	v44 =	vsub.f32 v46, v19;
	v35 =	vld [tilespmem:s15+$0x20];
	(erf) = vpow2.f32 v36;
	v36 =	vpop (erf)  }
0x71: {  	v27 =	vadd.f32 v42, v27;
	v45 =	vsub.f32 v45, v1;
	v46 =	vld [tilespmem:s15+$0x70];
	(erf) = vpow2.f32 v48;
	v42 =	vpop (erf)  }
0x72: {  	v37 =	vsub.f32 v37, v0;
	v44 =	vmul.f32 $1.442695020e+00, v44;
	v47 =	vld [tilespmem:s15+$0x440];
	v29 =	vadd.f32 v42, v29  }
0x73: {  	v31 =	vadd.f32 v36, v31;
	v45 =	vmul.f32 $1.442695020e+00, v45;
	v42 =	vld [tilespmem:s15+$0x10];
	(erf) = vpow2.f32 v43  }
0x74: {  	v48 =	vmul.f32 $1.442695020e+00, v37;
	v43 =	vld [tilespmem:s15+$0x420];
	(erf) = vpow2.f32 v39  }
0x75: {  	v41 =	vmul.f32 $1.442695020e+00, v41;
	v39 =	vld [tilespmem:s15+$0x450];
	(erf) = vpow2.f32 v34  }
0x76: {  	v15 =	vadd.f32 v32, v15;
	v37 =	vsub.f32 v35, v6;
	v49 =	vld [tilespmem:s15+$0x40];
	v32 =	vpop (erf);
	(erf) = vpow2.f32 v38  }
0x77: {  	v36 =	vsub.f32 v46, v10;
	v35 =	vld [tilespmem:s15+$0x60];
	v16 =	vadd.f32 v32, v16;
	v38 =	vpop (erf);
	(erf) = vpow2.f32 v44  }
0x78: {  	v32 =	vmul.f32 $1.442695020e+00, v37;
	v42 =	vsub.f32 v42, v5;
	v50 =	vld [tilespmem:s15+$0x50];
	(erf) = vpow2.f32 v40;
	v34 =	vpop (erf)  }
0x79: {  	v44 =	vmul.f32 $1.442695020e+00, v36;
	v37 =	vld [tilespmem:s15+$0x30];
	v23 =	vadd.f32 v34, v23;
	v34 =	vpop (erf);
	(erf) = vpow2.f32 v45  }
0x7a: {  	v36 =	vmul.f32 $1.442695020e+00, v42;
	v42 =	vsub.f32 v47, v13;
	v45 =	vld [tilespmem:s15+$0x470];
	v24 =	vadd.f32 v34, v24;
	v34 =	vpop (erf)  }
0x7b: {  	v43 =	vsub.f32 v43, v12;
	v46 =	vld [tilespmem:s15+$0x0];
	v18 =	vadd.f32 v34, v18;
	(erf) = vpow2.f32 v48  }
0x7c: {  	v33 =	vmul.f32 $1.442695020e+00, v33;
	v39 =	vsub.f32 v39, v14;
	(erf) = vpow2.f32 v44;
	v40 =	vpop (erf)  }
0x7d: {  	v20 =	vadd.f32 v38, v20;
	v34 =	vmul.f32 $1.442695020e+00, v43;
	v47 =	vld [tilespmem:s15+$0x430];
	(erf) = vpow2.f32 v41;
	v38 =	vpop (erf)  }
0x7e: {  	v39 =	vmul.f32 $1.442695020e+00, v39;
	v41 =	vsub.f32 v35, v9;
	v51 =	vld [tilespmem:s15+$0x410];
	(erf) = vpow2.f32 v33;
	v35 =	vpop (erf)  }
.Ltmp1:
0x7f: {  	v44 =	vmul.f32 $1.442695020e+00, v42;
	v21 =	vadd.f32 v38, v21;
	v33 =	vsub.f32 v45, v3;
	v38 =	vpop (erf);
	(pc) =	sbr.rel @p0 .LBB2_4-.Ltmp1, $4  }
0x80: {  	v52 =	vmul.f32 $1.442695020e+00, v41;
	v53 =	vsub.f32 v46, v4;
	v25 =	vadd.f32 v38, v25;
	v38 =	vpop (erf)  }
0x81: {  	v22 =	vadd.f32 v40, v22;
	v41 =	vsub.f32 v49, v7;
	v46 =	vld [tilespmem:s15+$0x460];
	v43 =	vmul.f32 $1.442695020e+00, v33;
	v49 =	vpop (erf)  }
0x82: {  	v33 =	vsub.f32 v50, v8;
	v40 =	vmul.f32 $1.442695020e+00, v53;
	v45 =	vld [tilespmem:s15+$0x400];
	v48 =	vsub.f32 v47, v17;
	v42 =	vpop (erf)  }
0x83: {  	s13 =	sadd.s32 $0x80, s13;
	s16 =	smov.u32 s14;
	v30 =	vadd.f32 v49, v30;
	v47 =	vsub.f32 v51, v11;
	(erf) = vpow2.f32 v52  }
0x84: {  	(erf) = vpow2.f32 v44;
	v3 =	vmul.f32 $1.442695020e+00, v48  }
0x85: {  	(erf) = vpow2.f32 v32  }
0x86: {  	(erf) = vpow2.f32 v36  }
0x87: {  	v4 =	vsub.f32 v46, v19;
	(erf) = vpow2.f32 v3  }
0x88: {  	v6 =	vmul.f32 $1.442695020e+00, v47;
	v3 =	vpop (erf);
	(erf) = vpow2.f32 v43  }
0x89: {  	v4 =	vmul.f32 $1.442695020e+00, v4;
	v5 =	vpop (erf);
	(erf) = vpow2.f32 v39  }
0x8a: {  	v1 =	vsub.f32 v45, v1;
	v7 =	vpop (erf);
	(erf) = vpow2.f32 v34  }
0x8b: {  	v0 =	vsub.f32 v37, v0;
	v8 =	vpop (erf);
	(erf) = vpow2.f32 v6  }
0x8c: {  	v1 =	vmul.f32 $1.442695020e+00, v1;
	v6 =	vpop (erf);
	(erf) = vpow2.f32 v4  }
0x8d: {  	v0 =	vmul.f32 $1.442695020e+00, v0;
	v4 =	vpop (erf);
	(erf) = vpow2.f32 v40  }
0x8e: {  	v10 =	vmul.f32 $1.442695020e+00, v41;
	v9 =	vpop (erf);
	(erf) = vpow2.f32 v1  }
0x8f: {  	v11 =	vpop (erf);
	(erf) = vpow2.f32 v0;
	v0 =	vmul.f32 $1.442695020e+00, v33  }
0x90: {  	v1 =	vpop (erf)  }
0x91: {  	v12 =	vpop (erf)  }
0x92: {  	(erf) = vpow2.f32 v10;
	v10 =	vpop (erf)  }
0x93: {  	(erf) = vpow2.f32 v0;
	v0 =	vpop (erf)  }
0x94: {  	v13 =	vpop (erf)  }
0x95: {  	v14 =	vpop (erf)  }
0x96: {  	v17 =	vpop (erf)  }
0x97: {  	v17 =	vadd.f32 v17, v30  }
0x98: {  	v11 =	vadd.f32 v11, v24  }
0x99: {  	v3 =	vadd.f32 v3, v28;
	v19 =	vpop (erf)  }
0x9a: {  	v7 =	vadd.f32 v7, v31;
	v9 =	vadd.f32 v9, v23;
	v23 =	vpop (erf);
	(erf) = vrcp.f32 v17  }
0x9b: {  	v8 =	vadd.f32 v8, v29;
	v3 =	vadd.f32 v23, v3;
	v17 =	vpop (erf);
	(erf) = vrcp.f32 v11  }
0x9c: {  	v11 =	vpop (erf);
	v7 =	vadd.f32 v17, v7;
	(erf) = vrcp.f32 v9  }
0x9d: {  	v8 =	vadd.f32 v11, v8;
	(erf) = vrcp.f32 v3;
	v3 =	vadd.f32 v42, v27  }
0x9e: {  	v6 =	vadd.f32 v6, v16;
	(erf) = vrcp.f32 v7  }
0x9f: {  	v5 =	vadd.f32 v5, v15;
	(erf) = vrcp.f32 v8;
	v3 =	vadd.f32 v19, v3  }
0xa0: {  	v7 =	vadd.f32 v35, v26;
	(erf) = vrcp.f32 v6  }
0xa1: {  	v6 =	vadd.f32 v13, v25;
	(erf) = vrcp.f32 v5  }
0xa2: {  	v2 =	vadd.f32 v38, v2;
	v0 =	vadd.f32 v0, v7;
	(erf) = vrcp.f32 v3  }
0xa3: {  	v1 =	vadd.f32 v1, v18;
	v3 =	vpop (erf);
	(erf) = vrcp.f32 v6  }
0xa4: {  	v4 =	vadd.f32 v4, v20;
	[tilespmem:$0x10000] =	vst v3;
	v3 =	vpop (erf);
	(erf) = vrcp.f32 v0;
	v0 =	vadd.f32 v10, v21  }
0xa5: {  	[tilespmem:$0x10010] =	vst v3;
	v3 =	vpop (erf);
	(erf) = vrcp.f32 v1  }
0xa6: {  	v1 =	vadd.f32 v14, v2;
	[tilespmem:$0x10020] =	vst v3;
	v2 =	vpop (erf);
	(erf) = vrcp.f32 v4  }
0xa7: {  	v3 =	vadd.f32 v12, v22;
	[tilespmem:$0x10030] =	vst v2;
	v2 =	vpop (erf);
	(erf) = vrcp.f32 v0  }
0xa8: {  	[tilespmem:$0x10040] =	vst v2;
	v0 =	vpop (erf);
	(erf) = vrcp.f32 v1  }
0xa9: {  	[tilespmem:$0x10050] =	vst v0;
	v0 =	vpop (erf);
	(erf) = vrcp.f32 v3  }
0xaa: {  	[tilespmem:$0x10060] =	vst v0;
	v0 =	vpop (erf)  }
0xab: {  	[tilespmem:$0x10070] =	vst v0;
	v0 =	vpop (erf)  }
0xac: {  	[tilespmem:$0x10080] =	vst v0;
	v0 =	vpop (erf)  }
0xad: {  	[tilespmem:$0x10090] =	vst v0;
	v0 =	vpop (erf)  }
0xae: {  	[tilespmem:$0x100A0] =	vst v0;
	v0 =	vpop (erf)  }
0xaf: {  	[tilespmem:$0x100B0] =	vst v0;
	v0 =	vpop (erf)  }
0xb0: {  	[tilespmem:$0x100C0] =	vst v0;
	v0 =	vpop (erf)  }
0xb1: {  	[tilespmem:$0x100D0] =	vst v0;
	v0 =	vpop (erf)  }
0xb2: {  	[tilespmem:$0x100E0] =	vst v0;
	v0 =	vpop (erf)  }
0xb3: {  	[tilespmem:$0x100F0] =	vst v0  }
0xb4: {  	[hbm4b:s4+s9] =	stream.strided.scatter [tilespmem:s11], [sflag:$0x1], $0x100, s10, s9, $0x38;
	[tilespmem:$0x10100] =	vst v63  }
0xb5: {  	_ =	swait.ge [sflag:s8], $0x100  }
0xb6: {  	[sflag:s8] =	ssyncset.done $0x0  }
0xb7: {  	s13 =	simm.s32 $0x0;
	[sflag:s8] =	ssyncadd.s32 $0xFFFFFF00  }
0xb8: {  	[tilespmem:s13], [sflag:$0x1] =	stream.linear.gather [hbm4b:s5+s13], $0x10000, $0x38;
	[tilespmem:$0x10100] =	vst v63  }
0xb9: {  	_ =	swait.ge [sflag:s8], $0x10000  }
0xba: {  	s14 =	sand.u32 $0xF800, s13;
	s15 =	sand.u32 $0x380, s13;
	[sflag:s8] =	ssyncset.done $0x0  }
0xbb: {  	s16 =	sor.u32 s15, s14;
	[sflag:s8] =	ssyncadd.s32 $0xFFFF0000  }
0xbc: {  	v0 =	vld [tilespmem:s16+$0x470]  }
0xbd: {  	v1 =	vld [tilespmem:s16+$0x0]  }
0xbe: {  	v5 =	vld [tilespmem:s16+$0x10]  }
0xbf: {  	v6 =	vld [tilespmem:s16+$0x20]  }
0xc0: {  	v7 =	vld [tilespmem:s16+$0x30]  }
0xc1: {  	v8 =	vld [tilespmem:s16+$0x40]  }
0xc2: {  	v9 =	vld [tilespmem:s16+$0x50]  }
0xc3: {  	v10 =	vld [tilespmem:s16+$0x60]  }
0xc4: {  	v11 =	vld [tilespmem:s16+$0x70]  }
0xc5: {  	v15 =	vimm.f32 $-Inf;
	v12 =	vld [tilespmem:s16+$0x400]  }
0xc6: {  	v13 =	vimm.f32 $-Inf;
	v14 =	vimm.f32 $-Inf;
	v3 =	vimm.f32 $-Inf;
	v16 =	vld [tilespmem:s16+$0x410]  }
0xc7: {  	v17 =	vld [tilespmem:s16+$0x420];
	v2 =	vmax.f32 v3, v0;
	v4 =	vmax.f32 v3, v1;
	v0 =	vmax.f32 v3, v5  }
0xc8: {  	v18 =	vld [tilespmem:s16+$0x430];
	v6 =	vmax.f32 v3, v6;
	v7 =	vmax.f32 v3, v7;
	v1 =	vmax.f32 v3, v8  }
0xc9: {  	s17 =	simm.s32 $0x80;
	s13 =	simm.s32 $0x100;
	v19 =	vld [tilespmem:s16+$0x440];
	v8 =	vmax.f32 v3, v9;
	v9 =	vmax.f32 v3, v10;
	v10 =	vmax.f32 v3, v11  }
0xca: {  	s18 =	simm.s32 $0x200;
	s20 =	sand.u32 $0x380, s17;
	s19 =	sand.u32 $0xF800, s13;
	v20 =	vld [tilespmem:s16+$0x450];
	v11 =	vmax.f32 v3, v12;
	v12 =	vimm.f32 $-Inf;
	v5 =	vimm.f32 $-Inf  }
.LBB2_6:
0xcb: {  	p0 =	sne.s32 s18, $0xFF00;
	v3 =	vmax.f32 v3, v16;
	v16 =	vld [tilespmem:s16+$0x460];
	s16 =	sor.u32 s20, s19  }
0xcc: {  	v21 =	vld [tilespmem:s16+$0x470];
	v12 =	vmax.f32 v12, v17  }
0xcd: {  	v17 =	vld [tilespmem:s16+$0x0];
	v5 =	vmax.f32 v5, v18  }
0xce: {  	v18 =	vld [tilespmem:s16+$0x10];
	v14 =	vmax.f32 v14, v19  }
0xcf: {  	v19 =	vld [tilespmem:s16+$0x20];
	v15 =	vmax.f32 v15, v20  }
0xd0: {  	v20 =	vld [tilespmem:s16+$0x30];
	v13 =	vmax.f32 v13, v16  }
0xd1: {  	v16 =	vld [tilespmem:s16+$0x40];
	v2 =	vmax.f32 v2, v21  }
0xd2: {  	v4 =	vmax.f32 v4, v17;
	v17 =	vld [tilespmem:s16+$0x50]  }
0xd3: {  	v0 =	vmax.f32 v0, v18;
	v18 =	vld [tilespmem:s16+$0x60]  }
0xd4: {  	v6 =	vmax.f32 v6, v19;
	v19 =	vld [tilespmem:s16+$0x70]  }
0xd5: {  	v7 =	vmax.f32 v7, v20;
	v20 =	vld [tilespmem:s16+$0x400]  }
.Ltmp2:
0xd6: {  	v1 =	vmax.f32 v1, v16;
	v16 =	vld [tilespmem:s16+$0x410];
	(pc) =	sbr.rel @p0 .LBB2_6-.Ltmp2, $4  }
0xd7: {  	v8 =	vmax.f32 v8, v17;
	v17 =	vld [tilespmem:s16+$0x420]  }
0xd8: {  	v9 =	vmax.f32 v9, v18;
	v18 =	vld [tilespmem:s16+$0x430]  }
0xd9: {  	s17 =	sadd.s32 $0x80, s17;
	v10 =	vmax.f32 v10, v19;
	v19 =	vld [tilespmem:s16+$0x440]  }
0xda: {  	s19 =	sand.u32 $0xF800, s18;
	s18 =	sadd.s32 $0x100, s18;
	s20 =	sand.u32 $0x380, s17;
	v11 =	vmax.f32 v11, v20;
	v20 =	vld [tilespmem:s16+$0x450]  }
0xdb: {  	s17 =	sor.u32 s20, s19;
	v21 =	vld [tilespmem:s16+$0x460]  }
0xdc: {  	v22 =	vld [tilespmem:s17+$0x470]  }
0xdd: {  	v23 =	vld [tilespmem:s17+$0x0]  }
0xde: {  	v24 =	vld [tilespmem:s17+$0x10]  }
0xdf: {  	v25 =	vld [tilespmem:s17+$0x20]  }
0xe0: {  	v26 =	vld [tilespmem:s17+$0x30]  }
0xe1: {  	v27 =	vld [tilespmem:s17+$0x40]  }
0xe2: {  	v28 =	vld [tilespmem:s17+$0x50]  }
0xe3: {  	v29 =	vld [tilespmem:s17+$0x60]  }
0xe4: {  	v30 =	vld [tilespmem:s17+$0x70]  }
0xe5: {  	v31 =	vld [tilespmem:s17+$0x400]  }
0xe6: {  	v32 =	vld [tilespmem:s17+$0x410]  }
0xe7: {  	v33 =	vld [tilespmem:s17+$0x420]  }
0xe8: {  	v34 =	vld [tilespmem:s17+$0x430]  }
0xe9: {  	v35 =	vld [tilespmem:s17+$0x440]  }
0xea: {  	s14 =	sor.u32 s15, s14;
	v36 =	vld [tilespmem:s17+$0x450]  }
0xeb: {  	s31 =	simm.s32 $0x80;
	v38 =	vld [tilespmem:s14+$0x20]  }
0xec: {  	s13 =	sand.u32 $0xF800, s13;
	v12 =	vmax.f32 v12, v17;
	v17 =	vld [tilespmem:s14+$0x70];
	s15 =	sand.u32 $0x380, s31  }
0xed: {  	s13 =	sor.u32 s15, s13;
	v14 =	vmax.f32 v14, v19;
	v19 =	vld [tilespmem:s14+$0x440]  }
0xee: {  	v62 =	vld [tilespmem:s13+$0x420]  }
0xef: {  	v63 =	vld [tilespmem:s13+$0x40]  }
0xf0: {  	v16 =	vmax.f32 v3, v16;
	v18 =	vmax.f32 v5, v18;
	v42 =	vld [tilespmem:s13+$0x50];
	v15 =	vmax.f32 v15, v20  }
0xf1: {  	v20 =	vmax.f32 v13, v21;
	v21 =	vld [tilespmem:s14+$0x60];
	v3 =	vmax.f32 v2, v22;
	v4 =	vmax.f32 v4, v23  }
0xf2: {  	v2 =	vld [tilespmem:s14+$0x10];
	v5 =	vmax.f32 v0, v24;
	v6 =	vmax.f32 v6, v25;
	v0 =	vmax.f32 v7, v26  }
0xf3: {  	v7 =	vmax.f32 v1, v27;
	v8 =	vmax.f32 v8, v28;
	v9 =	vmax.f32 v9, v29;
	v22 =	vld [tilespmem:s14+$0x420]  }
0xf4: {  	v10 =	vmax.f32 v10, v30;
	v1 =	vmax.f32 v11, v31;
	v11 =	vmax.f32 v16, v32;
	v16 =	vld [tilespmem:s14+$0x450]  }
0xf5: {  	v12 =	vmax.f32 v12, v33;
	v24 =	vld [tilespmem:s14+$0x470];
	v13 =	vmax.f32 v14, v35;
	v23 =	vsub.f32 v38, v6  }
0xf6: {  	v14 =	vmax.f32 v15, v36;
	v15 =	vld [tilespmem:s14+$0x0];
	v17 =	vsub.f32 v17, v10;
	v19 =	vsub.f32 v19, v13  }
0xf7: {  	v25 =	vld [tilespmem:s14+$0x430];
	v33 =	vsub.f32 v62, v12;
	v41 =	vsub.f32 v63, v7;
	v23 =	vmul.f32 $1.442695020e+00, v23  }
0xf8: {  	v45 =	vld [tilespmem:s13+$0x430];
	v17 =	vmul.f32 $1.442695020e+00, v17;
	v21 =	vsub.f32 v21, v9;
	v2 =	vsub.f32 v2, v5  }
0xf9: {  	v37 =	vld [tilespmem:s17+$0x460];
	v19 =	vmul.f32 $1.442695020e+00, v19;
	v22 =	vsub.f32 v22, v12;
	v16 =	vsub.f32 v16, v14  }
0xfa: {  	v26 =	vld [tilespmem:s14+$0x410];
	(erf) = vpow2.f32 v17;
	v17 =	vmax.f32 v18, v34;
	v24 =	vsub.f32 v24, v3  }
0xfb: {  	v27 =	vld [tilespmem:s14+$0x460];
	v15 =	vsub.f32 v15, v4;
	v34 =	vmul.f32 $1.442695020e+00, v33;
	v21 =	vmul.f32 $1.442695020e+00, v21  }
0xfc: {  	v33 =	vsub.f32 v42, v8;
	v25 =	vsub.f32 v25, v17;
	v18 =	vmul.f32 $1.442695020e+00, v22;
	v22 =	vld [tilespmem:s14+$0x400]  }
0xfd: {  	v28 =	vld [tilespmem:s14+$0x30];
	v48 =	vsub.f32 v45, v17;
	v2 =	vmul.f32 $1.442695020e+00, v2;
	(erf) = vpow2.f32 v21  }
0xfe: {  	v16 =	vmul.f32 $1.442695020e+00, v16;
	v21 =	vld [tilespmem:s14+$0x40];
	(erf) = vpow2.f32 v19;
	v19 =	vmax.f32 v20, v37  }
0xff: {  	v20 =	vmul.f32 $1.442695020e+00, v24;
	v24 =	vmul.f32 $1.442695020e+00, v15;
	v15 =	vsub.f32 v26, v11;
	v26 =	vld [tilespmem:s13+$0x20]  }
0x100: {  	v25 =	vmul.f32 $1.442695020e+00, v25;
	(erf) = vpow2.f32 v23;
	v23 =	vld [tilespmem:s14+$0x50];
	v27 =	vsub.f32 v27, v19  }
0x101: {  	v29 =	vld [tilespmem:s13+$0x70];
	(erf) = vpow2.f32 v2;
	v2 =	vsub.f32 v22, v1;
	v22 =	vmul.f32 $1.442695020e+00, v15  }
0x102: {  	(erf) = vpow2.f32 v25;
	v15 =	vsub.f32 v28, v0;
	v25 =	vmul.f32 $1.442695020e+00, v27;
	v27 =	vld [tilespmem:s13+$0x10]  }
0x103: {  	v21 =	vsub.f32 v21, v7;
	(erf) = vpow2.f32 v20;
	v28 =	vmul.f32 $1.442695020e+00, v2  }
0x104: {  	v31 =	vld [tilespmem:s13+$0x440];
	v2 =	vimm.f32 $0.0e+00;
	v20 =	vmul.f32 $1.442695020e+00, v15;
	(erf) = vpow2.f32 v16  }
0x105: {  	v30 =	vsub.f32 v23, v8;
	(erf) = vpow2.f32 v18;
	v18 =	vsub.f32 v26, v6  }
0x106: {  	v21 =	vmul.f32 $1.442695020e+00, v21;
	v26 =	vld [tilespmem:s13+$0x450];
	v15 =	vpop (erf);
	(erf) = vpow2.f32 v22;
	v22 =	vsub.f32 v29, v10  }
0x107: {  	v16 =	vpop (erf);
	(erf) = vpow2.f32 v25;
	v25 =	vsub.f32 v27, v5;
	v32 =	vmul.f32 $1.442695020e+00, v18  }
0x108: {  	v15 =	vadd.f32 v15, v2;
	v27 =	vld [tilespmem:s13+$0x60];
	v29 =	vpop (erf);
	(erf) = vpow2.f32 v24;
	v22 =	vmul.f32 $1.442695020e+00, v22  }
0x109: {  	v18 =	vpop (erf);
	(erf) = vpow2.f32 v28;
	v36 =	vmul.f32 $1.442695020e+00, v25;
	v25 =	vsub.f32 v31, v13;
	v31 =	vld [tilespmem:s13+$0x0]  }
0x10a: {  	v16 =	vadd.f32 v16, v2;
	v28 =	vld [tilespmem:s13+$0x470];
	v23 =	vadd.f32 v18, v2;
	(erf) = vpow2.f32 v20  }
0x10b: {  	v18 =	vpop (erf);
	v26 =	vsub.f32 v26, v14;
	v20 =	vadd.f32 v29, v2;
	v29 =	vld [tilespmem:s13+$0x410];
	(erf) = vpow2.f32 v22  }
0x10c: {  	v24 =	vadd.f32 v18, v2;
	v18 =	vpop (erf);
	v22 =	vmul.f32 $1.442695020e+00, v30;
	v44 =	vmul.f32 $1.442695020e+00, v25  }
0x10d: {  	v18 =	vadd.f32 v18, v2;
	v30 =	vpop (erf);
	(erf) = vpow2.f32 v21;
	v27 =	vsub.f32 v27, v9  }
0x10e: {  	v39 =	vmul.f32 $1.442695020e+00, v26;
	v21 =	vpop (erf);
	(erf) = vpow2.f32 v22;
	v26 =	vsub.f32 v31, v4  }
0x10f: {  	v35 =	vpop (erf);
	v22 =	vsub.f32 v28, v3;
	v21 =	vadd.f32 v21, v2;
	v27 =	vmul.f32 $1.442695020e+00, v27  }
0x110: {  	v28 =	vimm.f32 $0.0e+00;
	v31 =	vimm.f32 $0.0e+00;
	v25 =	vpop (erf);
	v47 =	vsub.f32 v29, v11  }
0x111: {  	v46 =	vld [tilespmem:s13+$0x460];
	v29 =	vimm.f32 $0.0e+00;
	v25 =	vadd.f32 v25, v2;
	v43 =	vmul.f32 $1.442695020e+00, v22;
	v38 =	vpop (erf)  }
0x112: {  	v45 =	vld [tilespmem:s13+$0x400];
	v22 =	vadd.f32 v30, v2;
	v40 =	vmul.f32 $1.442695020e+00, v26;
	(erf) = vpow2.f32 v27;
	v26 =	vpop (erf)  }
0x113: {  	s16 =	simm.s32 $0x200;
	v37 =	vld [tilespmem:s13+$0x30];
	s13 =	simm.s32 $0x100;
	v27 =	vimm.f32 $0.0e+00;
	v30 =	vadd.f32 v26, v2;
	v26 =	vimm.f32 $0.0e+00;
	v42 =	vpop (erf)  }
.LBB2_8:
0x114: {  	s14 =	smov.u32 s16  }
0x115: {  	s15 =	sand.u32 $0xF800, s16;
	s17 =	sand.u32 $0x380, s13;
	v48 =	vmul.f32 $1.442695020e+00, v48;
	(erf) = vpow2.f32 v44;
	v2 =	vadd.f32 v38, v2;
	v38 =	vpop (erf);
	s14 =	sadd.s32 $0x100, s16  }
0x116: {  	p0 =	sne.s32 s16, $0xFF00;
	v26 =	vadd.f32 v35, v26;
	s15 =	sor.u32 s17, s15;
	v28 =	vadd.f32 v38, v28;
	(erf) = vpow2.f32 v32;
	v32 =	vpop (erf)  }
0x117: {  	v38 =	vmul.f32 $1.442695020e+00, v47;
	v44 =	vsub.f32 v46, v19;
	v35 =	vld [tilespmem:s15+$0x20];
	(erf) = vpow2.f32 v36;
	v36 =	vpop (erf)  }
0x118: {  	v27 =	vadd.f32 v42, v27;
	v45 =	vsub.f32 v45, v1;
	v46 =	vld [tilespmem:s15+$0x70];
	(erf) = vpow2.f32 v48;
	v42 =	vpop (erf)  }
0x119: {  	v37 =	vsub.f32 v37, v0;
	v44 =	vmul.f32 $1.442695020e+00, v44;
	v47 =	vld [tilespmem:s15+$0x440];
	v29 =	vadd.f32 v42, v29  }
0x11a: {  	v31 =	vadd.f32 v36, v31;
	v45 =	vmul.f32 $1.442695020e+00, v45;
	v42 =	vld [tilespmem:s15+$0x10];
	(erf) = vpow2.f32 v43  }
0x11b: {  	v48 =	vmul.f32 $1.442695020e+00, v37;
	v43 =	vld [tilespmem:s15+$0x420];
	(erf) = vpow2.f32 v39  }
0x11c: {  	v41 =	vmul.f32 $1.442695020e+00, v41;
	v39 =	vld [tilespmem:s15+$0x450];
	(erf) = vpow2.f32 v34  }
0x11d: {  	v15 =	vadd.f32 v32, v15;
	v37 =	vsub.f32 v35, v6;
	v49 =	vld [tilespmem:s15+$0x40];
	v32 =	vpop (erf);
	(erf) = vpow2.f32 v38  }
0x11e: {  	v36 =	vsub.f32 v46, v10;
	v35 =	vld [tilespmem:s15+$0x60];
	v16 =	vadd.f32 v32, v16;
	v38 =	vpop (erf);
	(erf) = vpow2.f32 v44  }
0x11f: {  	v32 =	vmul.f32 $1.442695020e+00, v37;
	v42 =	vsub.f32 v42, v5;
	v50 =	vld [tilespmem:s15+$0x50];
	(erf) = vpow2.f32 v40;
	v34 =	vpop (erf)  }
0x120: {  	v44 =	vmul.f32 $1.442695020e+00, v36;
	v37 =	vld [tilespmem:s15+$0x30];
	v23 =	vadd.f32 v34, v23;
	v34 =	vpop (erf);
	(erf) = vpow2.f32 v45  }
0x121: {  	v36 =	vmul.f32 $1.442695020e+00, v42;
	v42 =	vsub.f32 v47, v13;
	v45 =	vld [tilespmem:s15+$0x470];
	v24 =	vadd.f32 v34, v24;
	v34 =	vpop (erf)  }
0x122: {  	v43 =	vsub.f32 v43, v12;
	v46 =	vld [tilespmem:s15+$0x0];
	v18 =	vadd.f32 v34, v18;
	(erf) = vpow2.f32 v48  }
0x123: {  	v33 =	vmul.f32 $1.442695020e+00, v33;
	v39 =	vsub.f32 v39, v14;
	(erf) = vpow2.f32 v44;
	v40 =	vpop (erf)  }
0x124: {  	v20 =	vadd.f32 v38, v20;
	v34 =	vmul.f32 $1.442695020e+00, v43;
	v47 =	vld [tilespmem:s15+$0x430];
	(erf) = vpow2.f32 v41;
	v38 =	vpop (erf)  }
0x125: {  	v39 =	vmul.f32 $1.442695020e+00, v39;
	v41 =	vsub.f32 v35, v9;
	v51 =	vld [tilespmem:s15+$0x410];
	(erf) = vpow2.f32 v33;
	v35 =	vpop (erf)  }
.Ltmp3:
0x126: {  	v44 =	vmul.f32 $1.442695020e+00, v42;
	v21 =	vadd.f32 v38, v21;
	v33 =	vsub.f32 v45, v3;
	v38 =	vpop (erf);
	(pc) =	sbr.rel @p0 .LBB2_8-.Ltmp3, $4  }
0x127: {  	v52 =	vmul.f32 $1.442695020e+00, v41;
	v53 =	vsub.f32 v46, v4;
	v25 =	vadd.f32 v38, v25;
	v38 =	vpop (erf)  }
0x128: {  	v22 =	vadd.f32 v40, v22;
	v41 =	vsub.f32 v49, v7;
	v46 =	vld [tilespmem:s15+$0x460];
	v43 =	vmul.f32 $1.442695020e+00, v33;
	v49 =	vpop (erf)  }
0x129: {  	v33 =	vsub.f32 v50, v8;
	v40 =	vmul.f32 $1.442695020e+00, v53;
	v45 =	vld [tilespmem:s15+$0x400];
	v48 =	vsub.f32 v47, v17;
	v42 =	vpop (erf)  }
0x12a: {  	s13 =	sadd.s32 $0x80, s13;
	s16 =	smov.u32 s14;
	v30 =	vadd.f32 v49, v30;
	v47 =	vsub.f32 v51, v11;
	(erf) = vpow2.f32 v52  }
0x12b: {  	(erf) = vpow2.f32 v44  }
0x12c: {  	v3 =	vmul.f32 $1.442695020e+00, v48;
	(erf) = vpow2.f32 v32  }
0x12d: {  	(erf) = vpow2.f32 v36  }
0x12e: {  	(erf) = vpow2.f32 v3  }
0x12f: {  	v61 =	vpop (erf);
	v4 =	vsub.f32 v46, v19;
	(erf) = vpow2.f32 v43  }
0x130: {  	v5 =	vpop (erf);
	v6 =	vmul.f32 $1.442695020e+00, v47;
	(erf) = vpow2.f32 v39  }
0x131: {  	v7 =	vpop (erf);
	v4 =	vmul.f32 $1.442695020e+00, v4;
	(erf) = vpow2.f32 v34  }
0x132: {  	v1 =	vsub.f32 v45, v1;
	v8 =	vpop (erf);
	(erf) = vpow2.f32 v6  }
0x133: {  	v0 =	vsub.f32 v37, v0;
	v62 =	vpop (erf);
	(erf) = vpow2.f32 v4  }
0x134: {  	v1 =	vmul.f32 $1.442695020e+00, v1;
	v63 =	vpop (erf);
	(erf) = vpow2.f32 v40  }
0x135: {  	v0 =	vmul.f32 $1.442695020e+00, v0;
	v9 =	vpop (erf)  }
0x136: {  	v10 =	vmul.f32 $1.442695020e+00, v41;
	(erf) = vpow2.f32 v1;
	v11 =	vpop (erf)  }
0x137: {  	v33 =	vmul.f32 $1.442695020e+00, v33;
	(erf) = vpow2.f32 v0;
	v32 =	vpop (erf)  }
0x138: {  	v12 =	vpop (erf);
	(erf) = vpow2.f32 v10  }
0x139: {  	v34 =	vpop (erf);
	(erf) = vpow2.f32 v33  }
0x13a: {  	v36 =	vpop (erf)  }
0x13b: {  	v13 =	vpop (erf)  }
0x13c: {  	v14 =	vpop (erf)  }
0x13d: {  	v17 =	vpop (erf)  }
0x13e: {  	v17 =	vadd.f32 v17, v30  }
0x13f: {  	v3 =	vadd.f32 v61, v28;
	v11 =	vadd.f32 v11, v24;
	v37 =	vpop (erf)  }
0x140: {  	v7 =	vadd.f32 v7, v31;
	v9 =	vadd.f32 v9, v23;
	v39 =	vpop (erf);
	(erf) = vrcp.f32 v17  }
0x141: {  	v8 =	vadd.f32 v8, v29;
	v3 =	vadd.f32 v39, v3;
	v40 =	vpop (erf);
	(erf) = vrcp.f32 v11  }
0x142: {  	v41 =	vpop (erf);
	v7 =	vadd.f32 v40, v7;
	(erf) = vrcp.f32 v9  }
0x143: {  	v8 =	vadd.f32 v41, v8;
	(erf) = vrcp.f32 v3  }
0x144: {  	v42 =	vadd.f32 v42, v27;
	v6 =	vadd.f32 v62, v16;
	(erf) = vrcp.f32 v7  }
0x145: {  	v5 =	vadd.f32 v5, v15;
	(erf) = vrcp.f32 v8  }
0x146: {  	v43 =	vadd.f32 v35, v26;
	v3 =	vadd.f32 v37, v42;
	(erf) = vrcp.f32 v6  }
0x147: {  	v44 =	vadd.f32 v13, v25;
	(erf) = vrcp.f32 v5  }
0x148: {  	v0 =	vadd.f32 v36, v43;
	(erf) = vrcp.f32 v3  }
0x149: {  	v1 =	vadd.f32 v32, v18;
	v45 =	vpop (erf);
	(erf) = vrcp.f32 v44  }
0x14a: {  	v2 =	vadd.f32 v38, v2;
	v4 =	vadd.f32 v63, v20;
	[tilespmem:$0x10000] =	vst v45;
	v46 =	vpop (erf);
	(erf) = vrcp.f32 v0  }
0x14b: {  	v47 =	vadd.f32 v34, v21;
	[tilespmem:$0x10010] =	vst v46;
	v48 =	vpop (erf);
	(erf) = vrcp.f32 v1  }
0x14c: {  	v49 =	vadd.f32 v14, v2;
	[tilespmem:$0x10020] =	vst v48;
	v50 =	vpop (erf);
	(erf) = vrcp.f32 v4  }
0x14d: {  	v51 =	vadd.f32 v12, v22;
	[tilespmem:$0x10030] =	vst v50;
	v52 =	vpop (erf);
	(erf) = vrcp.f32 v47  }
0x14e: {  	[tilespmem:$0x10040] =	vst v52;
	v53 =	vpop (erf);
	(erf) = vrcp.f32 v49  }
0x14f: {  	[tilespmem:$0x10050] =	vst v53;
	v54 =	vpop (erf);
	(erf) = vrcp.f32 v51  }
0x150: {  	[tilespmem:$0x10060] =	vst v54;
	v55 =	vpop (erf)  }
0x151: {  	[tilespmem:$0x10070] =	vst v55;
	v56 =	vpop (erf)  }
0x152: {  	[tilespmem:$0x10080] =	vst v56;
	v57 =	vpop (erf)  }
0x153: {  	[tilespmem:$0x10090] =	vst v57;
	v58 =	vpop (erf)  }
0x154: {  	[tilespmem:$0x100A0] =	vst v58;
	v59 =	vpop (erf)  }
0x155: {  	[tilespmem:$0x100B0] =	vst v59;
	v60 =	vpop (erf)  }
0x156: {  	[tilespmem:$0x100C0] =	vst v60;
	v61 =	vpop (erf)  }
0x157: {  	s12 =	sadd.s32 $0x1, s12;
	[tilespmem:$0x100D0] =	vst v61;
	v62 =	vpop (erf)  }
0x158: {  	p0 =	sne.s32 s12, s7;
	[tilespmem:$0x100E0] =	vst v62;
	v63 =	vpop (erf)  }
.Ltmp4:
0x159: {  	[tilespmem:$0x100F0] =	vst v63;
	(pc) =	sbr.rel @p0 .LBB2_1-.Ltmp4, $4  }
0x15a: {  	[hbm4b:s6+s9] =	stream.strided.scatter [tilespmem:s11], [sflag:$0x1], $0x100, s10, s9, $0x38;
	[tilespmem:$0x10100] =	vst v63  }
0x15b: {  	_ =	swait.ge [sflag:s8], $0x100  }
0x15c: {  	[sflag:s8] =	ssyncset.done $0x0  }
0x15d: {  	[sflag:s8] =	ssyncadd.s32 $0xFFFFFF00  }
0x15e: {  	_ =	sfence.sel $0x180000  }
0x15f: {  	[bflag:$0x0] =	sbarrier.arrive $0xFFFF  }
0x160: {  	p0 =	sne.s32 s1, $0x0;
	_ =	strace $0x90000047  }
0x161: {  	s0 =	sadd.s32 @!p0 $0x100000, s0;
	[bflag:$0x2] =	sbarrier.arrive $0xFFFF  }
0x162: {  	[sflag:s0] =	ssyncadd.tile.s32 @!p0 $0x1;
	_ =	shalt  }
.Lfunc_end2:
_tile_overlayer_lowered:
.L_overlay_start_2:
0x163: {  	(tag) =	ssettag $0x2  }
0x164: {  	s0 =	rddreg [dreg:$0x0];
	s2 =	stileid.u32  }
0x165: {  	s1 =	rddreg [dreg:$0x1];
	p0 =	sne.s32 s2, $0x0  }
0x166: {  	s3 =	rddreg [dreg:$0x2];
	[bflag:$0x3] =	sbarrier.arrive $0xFFFF;
	s2 =	simm.s32 @!p0 $0x1C01  }
0x167: {  	[timem:s3], [sflag:s2] =	dma.local @!p0 [hbm:s0], s1  }
0x168: {  	s0 =	simm.s32 @!p0 $0x1  }
0x169: {  	_ =	swait.ge @!p0 [sflag:s0], s1  }
0x16a: {  	s1 =	ssub.s32 @!p0 $0x0, s1;
	[sflag:s0] =	ssyncset.done @!p0 $0x0  }
0x16b: {  	[sflag:s0] =	ssyncadd.s32 @!p0 s1  }
0x16c: {  	[bflag:$0x3] =	sbarrier.arrive $0xFFFF  }
0x16d: {  	_ =	shalt  }

</sc_bundles>
